<compile_context>
chip_gen: v7x
topology: tpu7x:2x2x1
jax: 0.10.2.dev20260603
libtpu: 0.0.44.dev20260713+nightly
codegen_flags: <defaults>
</compile_context>

<pallas_src>
import functools

import jax
import jax.numpy as jnp
from jax import lax
from jax.experimental import pallas as pl

_B, _P, _C = 32, 24564, 81
_NEGPOS_RATIO = 3
_TP = 8192
_NP = -(-_P // _TP)
_P2 = _NP * _TP


def _phase1_body(conf_ref, lab_ref, lab4_ref, loc_ref, lgt_ref,
                 v_ref, stats_ref, acc_ref):
    j = pl.program_id(1)
    conf = conf_ref[0]
    lab_row = lab_ref[0, 0]
    gidx = j * _TP + lax.broadcasted_iota(jnp.int32, (1, _TP), 1)
    valid = gidx < _P
    lab_v = jnp.where(valid, lab_row, 0)
    pos = lab_v > 0
    lab_col = lab_v.reshape(_TP, 1)

    e = jnp.exp(conf).astype(jnp.bfloat16)
    cid = lax.broadcasted_iota(jnp.int32, (_TP, _C), 1)
    y = jnp.where(cid == lab_col, conf, 0.0).astype(jnp.bfloat16)
    ones = jnp.ones((_C, 128), jnp.bfloat16)
    dn = (((1,), (0,)), ((), ()))
    s_mat = lax.dot_general(e, ones, dn, preferred_element_type=jnp.float32)
    g_mat = lax.dot_general(y, ones, dn, preferred_element_type=jnp.float32)
    sg = jnp.concatenate([s_mat[:, 0:1], g_mat[:, 0:1]], axis=1)
    sg_t = sg.T
    lse = jnp.log(sg_t[0:1])
    g_row = sg_t[1:2]

    ce = jnp.maximum(lse - g_row, 0.0)
    v = jnp.where(jnp.logical_and(valid, jnp.logical_not(pos)), ce, 0.0)
    v_ref[0, 0] = v

    d = loc_ref[0, 0] - lgt_ref[0, 0]
    ad = jnp.abs(d)
    sl1 = jnp.where(ad < 1.0, 0.5 * d * d, ad - 0.5)
    gidx4 = 4 * j * _TP + lax.broadcasted_iota(jnp.int32, (1, 4 * _TP), 1)
    pos4 = jnp.logical_and(lab4_ref[0, 0] > 0, gidx4 < 4 * _P)
    loc_part = jnp.sum(jnp.where(pos4, sl1, 0.0))

    posf = pos.astype(jnp.float32)
    np_part = jnp.sum(posf)
    posce_part = jnp.sum(jnp.where(pos, ce, 0.0))

    lane = lax.broadcasted_iota(jnp.int32, (1, 128), 1)
    delta = (jnp.where(lane == 0, np_part, 0.0)
             + jnp.where(lane == 1, posce_part, 0.0)
             + jnp.where(lane == 2, loc_part, 0.0))

    @pl.when(j == 0)
    def _():
        acc_ref[...] = delta

    @pl.when(j != 0)
    def _():
        acc_ref[...] = acc_ref[...] + delta

    @pl.when(j == _NP - 1)
    def _():
        stats_ref[0] = acc_ref[...]


from jax.experimental.pallas import tpu as pltpu
from jax.experimental.pallas import tpu_sc as plsc

_NV = _P2 // 16


def _mine_body(v_hbm, kib_hbm, out_hbm, row_v, cand_v, hc_v, hs_v, kv_v,
               out_v, sem):
    lane = lax.iota(jnp.int32, 16)
    wid = lax.axis_index("s") * 2 + lax.axis_index("c")
    pltpu.sync_copy(v_hbm.at[wid], row_v)
    pltpu.sync_copy(kib_hbm.at[wid], kv_v)

    kvec = kv_v[...]
    ones = jnp.ones((16,), jnp.float32)

    def z_body(i, carry):
        hc_v[pl.ds(i * 16, 16)] = jnp.zeros((16,), jnp.float32)
        hs_v[pl.ds(i * 16, 16)] = jnp.zeros((16,), jnp.float32)
        return carry
    lax.fori_loop(0, 256, z_body, 0)

    def h_body(i, carry):
        w = row_v[pl.ds(i * 16, 16)]
        bits = lax.bitcast_convert_type(w, jnp.int32)
        b8 = bits >> 23
        idx = lane * 256 + b8
        plsc.addupdate_scatter(hc_v, [idx], ones)
        plsc.addupdate_scatter(hs_v, [idx], w)
        return carry
    lax.fori_loop(0, _NV, h_body, 0)

    def r_body(j, carry):
        acc_c = jnp.zeros((16,), jnp.float32)
        acc_s = jnp.zeros((16,), jnp.float32)
        for l in range(16):
            acc_c = acc_c + hc_v[pl.ds(l * 256 + j * 16, 16)]
            acc_s = acc_s + hs_v[pl.ds(l * 256 + j * 16, 16)]
        hc_v[pl.ds(4096 + j * 16, 16)] = acc_c
        hs_v[pl.ds(4096 + j * 16, 16)] = acc_s
        return carry
    lax.fori_loop(0, 16, r_body, 0)

    tot = jnp.zeros((16,), jnp.float32)
    for j in range(16):
        tot = tot + jnp.sum(hc_v[pl.ds(4096 + j * 16, 16)]) * ones
    kf = kvec.astype(jnp.float32)
    run = jnp.zeros((16,), jnp.float32)
    nb = jnp.zeros((16,), jnp.int32)
    for j in range(16):
        c = hc_v[pl.ds(4096 + j * 16, 16)]
        incl = plsc.cumsum(c) + run
        run = run + jnp.sum(c) * ones
        suff = tot - incl + c
        nb = nb + plsc.all_reduce_population_count(suff >= kf)
    t8 = nb - 1
    cnt_above = jnp.zeros((16,), jnp.float32)
    sum_above = jnp.zeros((16,), jnp.float32)
    for j in range(16):
        binid = j * 16 + lane
        m = binid > t8
        cnt_above = cnt_above + jnp.where(m, hc_v[pl.ds(4096 + j * 16, 16)], 0.0)
        sum_above = sum_above + jnp.where(m, hs_v[pl.ds(4096 + j * 16, 16)], 0.0)
    cnt_above = jnp.sum(cnt_above) * ones
    sum_above = jnp.sum(sum_above) * ones

    def c_body(i, off):
        w = row_v[pl.ds(i * 16, 16)]
        bits = lax.bitcast_convert_type(w, jnp.int32)
        b8 = bits >> 23
        m = jnp.logical_and(b8 == t8, t8 > 0)
        mi = m.astype(jnp.int32)
        posn = plsc.cumsum(mi) - mi + off
        plsc.store_scatter(cand_v, [posn], w, mask=m)
        return off + plsc.all_reduce_population_count(m)
    nc = lax.fori_loop(0, _NV, c_body, jnp.zeros((16,), jnp.int32))
    nc_s = jnp.max(nc)
    nvc = (nc_s + 15) // 16

    kp = kvec - cnt_above.astype(jnp.int32)
    base = jnp.where(t8 > 0, t8, 0) << 23

    def bit_body(bi, tacc):
        bit = jnp.left_shift(jnp.ones((16,), jnp.int32), 22 - bi)
        cand = base | tacc | bit

        def cnt_body(i, acc):
            w = cand_v[pl.ds(i * 16, 16)]
            bits = lax.bitcast_convert_type(w, jnp.int32)
            valid = (i * 16 + lane) < nc
            m = jnp.logical_and(bits >= cand, valid)
            return acc + plsc.all_reduce_population_count(m)
        cnt = lax.fori_loop(0, nvc, cnt_body, jnp.zeros((16,), jnp.int32))
        return jnp.where(cnt >= kp, tacc | bit, tacc)
    tbits = lax.fori_loop(0, 23, bit_body, jnp.zeros((16,), jnp.int32))
    tbits = base | tbits
    tval = lax.bitcast_convert_type(tbits, jnp.float32)

    def f_body(i, st):
        cgt, ssum = st
        w = cand_v[pl.ds(i * 16, 16)]
        bits = lax.bitcast_convert_type(w, jnp.int32)
        valid = (i * 16 + lane) < nc
        m = jnp.logical_and(bits > tbits, valid)
        cgt = cgt + plsc.all_reduce_population_count(m)
        ssum = ssum + jnp.sum(jnp.where(m, w, 0.0)) * jnp.ones((16,), jnp.float32)
        return cgt, ssum
    cgt, ssum = lax.fori_loop(
        0, nvc, f_body,
        (jnp.zeros((16,), jnp.int32), jnp.zeros((16,), jnp.float32)))

    rem = (kp - cgt).astype(jnp.float32)
    s_cand = ssum + jnp.where(kp > cgt, rem * tval, 0.0)
    out_v[...] = sum_above + s_cand
    pltpu.sync_copy(out_v, out_hbm.at[wid])


def _mine(v2d, kib):
    mesh = plsc.VectorSubcoreMesh(core_axis_name="c", subcore_axis_name="s")
    f = functools.partial(
        pl.kernel,
        mesh=mesh,
        compiler_params=pltpu.CompilerParams(needs_layout_passes=False),
        out_type=jax.ShapeDtypeStruct((_B, 16), jnp.float32),
        scratch_types=[
            pltpu.VMEM((_P2,), jnp.float32),
            pltpu.VMEM((_P2,), jnp.float32),
            pltpu.VMEM((4096 + 256,), jnp.float32),
            pltpu.VMEM((4096 + 256,), jnp.float32),
            pltpu.VMEM((16,), jnp.int32),
            pltpu.VMEM((16,), jnp.float32),
            pltpu.SemaphoreType.DMA,
        ],
    )(_mine_body)
    return f(v2d, kib)


@jax.jit
def kernel(loc, conf, priors, loc_gt, labels):
    del priors
    lab2d = labels[..., 0].astype(jnp.int32)
    labr = lab2d.reshape(_B, 1, _P)
    lab4r = jnp.repeat(lab2d, 4, axis=1).reshape(_B, 1, 4 * _P)
    locf = loc.reshape(_B, 1, 4 * _P)
    lgtf = loc_gt.reshape(_B, 1, 4 * _P)

    v, stats = pl.pallas_call(
        _phase1_body,
        grid=(_B, _NP),
        compiler_params=pltpu.CompilerParams(
            dimension_semantics=("parallel", "arbitrary")),
        in_specs=[
            pl.BlockSpec((1, _TP, _C), lambda b, j: (b, j, 0)),
            pl.BlockSpec((1, 1, _TP), lambda b, j: (b, 0, j)),
            pl.BlockSpec((1, 1, 4 * _TP), lambda b, j: (b, 0, j)),
            pl.BlockSpec((1, 1, 4 * _TP), lambda b, j: (b, 0, j)),
            pl.BlockSpec((1, 1, 4 * _TP), lambda b, j: (b, 0, j)),
        ],
        out_specs=[
            pl.BlockSpec((1, 1, 1, _TP), lambda b, j: (b, j, 0, 0)),
            pl.BlockSpec((1, 1, 128), lambda b, j: (b, 0, 0)),
        ],
        out_shape=[
            jax.ShapeDtypeStruct((_B, _NP, 1, _TP), jnp.float32),
            jax.ShapeDtypeStruct((_B, 1, 128), jnp.float32),
        ],
        scratch_shapes=[pltpu.VMEM((1, 128), jnp.float32)],
    )(conf, labr, lab4r, locf, lgtf)

    npos = stats[:, 0, 0]
    posce = jnp.sum(stats[:, 0, 1])
    locsum = jnp.sum(stats[:, 0, 2])
    ki = jnp.minimum(_NEGPOS_RATIO * npos.astype(jnp.int32), _P - 1)
    kib = jnp.broadcast_to(ki[:, None], (_B, 16))
    s_rows = _mine(v.reshape(_B, _P2), kib)
    total = jnp.sum(s_rows[:, 0]) + posce + locsum
    return total / jnp.sum(npos)

# --- scband reference (transcript-rebuilt; emitter-appended) ---
"""Pipeline reference for scband-multi-box-loss-17506286699138 (READ-ONLY COPY).

The authoritative reference and input builder live on the scoring server;
editing this copy changes nothing except your own understanding.
"""

import jax, jax.numpy as jnp
import numpy as np

B, P, C = 32, 24564, 81
NEGPOS_RATIO = 3


def setup_inputs(seed: int = 0) -> dict:
    key = jax.random.key(seed)
    k1, k2, k3, k4, k5 = jax.random.split(key, 5)
    loc = jax.random.normal(k1, (B, P, 4), dtype=jnp.float32)
    conf = jax.random.normal(k2, (B, P, C), dtype=jnp.float32)
    priors = jax.random.uniform(k3, (P, 4), dtype=jnp.float32)
    loc_gt = jax.random.normal(k4, (B, P, 4), dtype=jnp.float32)
    labels = jax.random.randint(k5, (B, P, 1), 0, C)
    return {"loc": loc, "conf": conf, "priors": priors, "loc_gt": loc_gt, "labels": labels}


def reference(loc, conf, priors, loc_gt, labels):
    # targets = concat(loc_gt, labels) in the original; split here for clarity.
    num_priors = conf.shape[1]
    pos = labels > 0  # [B, P, 1]
    num_pos = jnp.sum(pos.astype(jnp.int32), axis=1, keepdims=True)  # [B, 1, 1]

    # Localization loss: SmoothL1 (beta=1), reduction='sum' over positive priors.
    diff = loc - loc_gt
    ad = jnp.abs(diff)
    sl1 = jnp.where(ad < 1.0, 0.5 * diff * diff, ad - 0.5)  # [B, P, 4]
    loss_loc = jnp.sum(sl1 * pos.astype(loc.dtype))

    # Per-prior confidence loss for hard negative mining:
    # log_sum_exp(conf) - conf.gather(-1, conf_gt)
    lse = jax.scipy.special.logsumexp(conf, axis=-1, keepdims=True)  # [B, P, 1]
    gathered = jnp.take_along_axis(conf, labels.astype(jnp.int32), axis=-1)  # [B, P, 1]
    loss_c = lse - gathered
    loss_c = jnp.where(pos, 0.0, loss_c)  # loss_conf[pos] = 0

    # Hard negative mining: rank priors by descending loss, keep top num_neg.
    lc = loss_c[..., 0]  # [B, P]
    loss_idx = jnp.argsort(-lc, axis=1)  # descending sort indices
    idx_rank = jnp.argsort(loss_idx, axis=1)  # rank of each prior
    num_neg = jnp.clip(NEGPOS_RATIO * num_pos, None, num_priors - 1)  # [B, 1, 1]
    neg = idx_rank < num_neg[..., 0]  # [B, P]

    # Confidence loss: CrossEntropy(reduction='sum') over pos + hard-neg priors.
    sel = jnp.logical_or(pos[..., 0], neg)  # [B, P]
    ce = lse[..., 0] - gathered[..., 0]  # per-prior cross entropy
    loss_conf = jnp.sum(ce * sel.astype(conf.dtype))

    N = jnp.sum(num_pos).astype(jnp.float32)
    return (loss_loc + loss_conf) / N

if __name__ == "__main__":
    import jax
    _d = setup_inputs()
    print(jax.jit(kernel)(*tuple(_d.values())))

</pallas_src>

<mosaic_0001>
#map = affine_map<(d0, d1) -> (0, 0)>
module attributes {stable_mosaic.version = 14 : i64} {
  func.func @_mine_body(%arg0: i32, %arg1: i32, %arg2: memref<32x24576xf32, #tpu.memory_space<hbm>>, %arg3: memref<32x16xi32, #tpu.memory_space<hbm>>, %arg4: memref<32x16xf32, #tpu.memory_space<hbm>>, %arg5: memref<24576xf32, #tpu.memory_space<vmem>>, %arg6: memref<24576xf32, #tpu.memory_space<vmem>>, %arg7: memref<4352xf32, #tpu.memory_space<vmem>>, %arg8: memref<4352xf32, #tpu.memory_space<vmem>>, %arg9: memref<16xi32, #tpu.memory_space<vmem>>, %arg10: memref<16xf32, #tpu.memory_space<vmem>>, %arg11: memref<!tpu.dma_semaphore, #tpu.memory_space<semaphore_mem>>) attributes {dimension_semantics = [#tpu.dimension_semantics<core_parallel>, #tpu.dimension_semantics<subcore_parallel>], iteration_bounds = array<i64: 2, 16>, scalar_prefetch = 0 : i64, scratch_operands = 7 : i64, tpu.core_type = #tpu.core_type<sc_vector_subcore>, window_params = [{transform_indices = #map}, {transform_indices = #map}, {transform_indices = #map}]} {
    %iota3A = tpu.iota {dimensions = array<i32: 0>} : vector<16xi32>
    %mul3A = arith.constant 2 : i32
    %mul3A_0 = arith.muli %arg1, %mul3A : i32
    %add3A = arith.addi %mul3A_0, %arg0 : i32
    "tpu.region"() ({
      %run_scoped3A = tpu.sem_alloc : memref<!tpu.dma_semaphore, #tpu.memory_space<semaphore_mem>>
      %dma_start3A = arith.constant 0 : i32
      %dma_start3A_803 = tpu.memref_slice %arg2[%add3A, %dma_start3A] : memref<32x24576xf32, #tpu.memory_space<hbm>> -> memref<1x24576xf32, #tpu.memory_space<hbm>>
      %dma_start3A_804 = tpu.memref_squeeze %dma_start3A_803 : memref<1x24576xf32, #tpu.memory_space<hbm>> -> memref<24576xf32, #tpu.memory_space<hbm>>
      %dma_start3A_805 = arith.constant 0 : i32
      %dma_start3A_806 = tpu.memref_slice %arg2[%add3A, %dma_start3A_805] : memref<32x24576xf32, #tpu.memory_space<hbm>> -> memref<1x24576xf32, #tpu.memory_space<hbm>>
      %dma_start3A_807 = tpu.memref_squeeze %dma_start3A_806 : memref<1x24576xf32, #tpu.memory_space<hbm>> -> memref<24576xf32, #tpu.memory_space<hbm>>
      tpu.enqueue_dma source(%dma_start3A_807 : memref<24576xf32, #tpu.memory_space<hbm>>) target(%arg5 : memref<24576xf32, #tpu.memory_space<vmem>>) target_semaphore(%run_scoped3A : memref<!tpu.dma_semaphore, #tpu.memory_space<semaphore_mem>>)
      %dma_wait3A = arith.constant 0 : i32
      %dma_wait3A_808 = tpu.memref_slice %arg2[%add3A, %dma_wait3A] : memref<32x24576xf32, #tpu.memory_space<hbm>> -> memref<1x24576xf32, #tpu.memory_space<hbm>>
      %dma_wait3A_809 = tpu.memref_squeeze %dma_wait3A_808 : memref<1x24576xf32, #tpu.memory_space<hbm>> -> memref<24576xf32, #tpu.memory_space<hbm>>
      %dma_wait3A_810 = arith.constant 0 : i32
      %dma_wait3A_811 = tpu.memref_slice %arg2[%add3A, %dma_wait3A_810] : memref<32x24576xf32, #tpu.memory_space<hbm>> -> memref<1x24576xf32, #tpu.memory_space<hbm>>
      %dma_wait3A_812 = tpu.memref_squeeze %dma_wait3A_811 : memref<1x24576xf32, #tpu.memory_space<hbm>> -> memref<24576xf32, #tpu.memory_space<hbm>>
      tpu.wait_dma2 semaphore(%run_scoped3A : memref<!tpu.dma_semaphore, #tpu.memory_space<semaphore_mem>>) src(%dma_wait3A_812 : memref<24576xf32, #tpu.memory_space<hbm>>) dst(%arg5 : memref<24576xf32, #tpu.memory_space<vmem>>)
      tpu.yield
    }) : () -> ()
    "tpu.region"() ({
      %run_scoped3A = tpu.sem_alloc : memref<!tpu.dma_semaphore, #tpu.memory_space<semaphore_mem>>
      %dma_start3A = arith.constant 0 : i32
      %dma_start3A_803 = tpu.memref_slice %arg3[%add3A, %dma_start3A] : memref<32x16xi32, #tpu.memory_space<hbm>> -> memref<1x16xi32, #tpu.memory_space<hbm>>
      %dma_start3A_804 = tpu.memref_squeeze %dma_start3A_803 : memref<1x16xi32, #tpu.memory_space<hbm>> -> memref<16xi32, #tpu.memory_space<hbm>>
      %dma_start3A_805 = arith.constant 0 : i32
      %dma_start3A_806 = tpu.memref_slice %arg3[%add3A, %dma_start3A_805] : memref<32x16xi32, #tpu.memory_space<hbm>> -> memref<1x16xi32, #tpu.memory_space<hbm>>
      %dma_start3A_807 = tpu.memref_squeeze %dma_start3A_806 : memref<1x16xi32, #tpu.memory_space<hbm>> -> memref<16xi32, #tpu.memory_space<hbm>>
      tpu.enqueue_dma source(%dma_start3A_807 : memref<16xi32, #tpu.memory_space<hbm>>) target(%arg9 : memref<16xi32, #tpu.memory_space<vmem>>) target_semaphore(%run_scoped3A : memref<!tpu.dma_semaphore, #tpu.memory_space<semaphore_mem>>)
      %dma_wait3A = arith.constant 0 : i32
      %dma_wait3A_808 = tpu.memref_slice %arg3[%add3A, %dma_wait3A] : memref<32x16xi32, #tpu.memory_space<hbm>> -> memref<1x16xi32, #tpu.memory_space<hbm>>
      %dma_wait3A_809 = tpu.memref_squeeze %dma_wait3A_808 : memref<1x16xi32, #tpu.memory_space<hbm>> -> memref<16xi32, #tpu.memory_space<hbm>>
      %dma_wait3A_810 = arith.constant 0 : i32
      %dma_wait3A_811 = tpu.memref_slice %arg3[%add3A, %dma_wait3A_810] : memref<32x16xi32, #tpu.memory_space<hbm>> -> memref<1x16xi32, #tpu.memory_space<hbm>>
      %dma_wait3A_812 = tpu.memref_squeeze %dma_wait3A_811 : memref<1x16xi32, #tpu.memory_space<hbm>> -> memref<16xi32, #tpu.memory_space<hbm>>
      tpu.wait_dma2 semaphore(%run_scoped3A : memref<!tpu.dma_semaphore, #tpu.memory_space<semaphore_mem>>) src(%dma_wait3A_812 : memref<16xi32, #tpu.memory_space<hbm>>) dst(%arg9 : memref<16xi32, #tpu.memory_space<vmem>>)
      tpu.yield
    }) : () -> ()
    %get3A = arith.constant 0 : index
    %get3A_1 = tpu.vector_load %arg9[%get3A] {strides = array<i32>} : memref<16xi32, #tpu.memory_space<vmem>>, vector<16xi32>,
    %broadcast_in_dim3A = arith.constant 1.000000e+00 : f32
    %broadcast_in_dim3A_2 = vector.broadcast %broadcast_in_dim3A : f32 to vector<16xf32>
    %scan3A = arith.constant 0 : i32
    %scan3A_3 = arith.constant 0 : i32
    %scan3A_4 = arith.constant 256 : i32
    %scan3A_5 = arith.addi %scan3A_3, %scan3A_4 : i32
    %scan3A_6 = arith.constant 1 : i32
    scf.for %scan3A_803 = %scan3A_3 to %scan3A_5 step %scan3A_6  : i32 {
      %broadcast_in_dim3A_804 = arith.constant 0.000000e+00 : f32
      %broadcast_in_dim3A_805 = vector.broadcast %broadcast_in_dim3A_804 : f32 to vector<16xf32>
      %mul3A_806 = arith.constant 16 : i32
      %mul3A_807 = arith.muli %scan3A_803, %mul3A_806 : i32
      %swap3A_808 = arith.index_cast %mul3A_807 : i32 to index
      %swap3A_809 = tpu.vector_load %arg7[%swap3A_808] {strides = array<i32>} : memref<4352xf32, #tpu.memory_space<vmem>>, vector<16xf32>,
      tpu.vector_store %arg7[%swap3A_808], %broadcast_in_dim3A_805 {strides = array<i32>} : memref<4352xf32, #tpu.memory_space<vmem>>, vector<16xf32>,
      %broadcast_in_dim3A_810 = arith.constant 0.000000e+00 : f32
      %broadcast_in_dim3A_811 = vector.broadcast %broadcast_in_dim3A_810 : f32 to vector<16xf32>
      %mul3A_812 = arith.constant 16 : i32
      %mul3A_813 = arith.muli %scan3A_803, %mul3A_812 : i32
      %swap3A_814 = arith.index_cast %mul3A_813 : i32 to index
      %swap3A_815 = tpu.vector_load %arg8[%swap3A_814] {strides = array<i32>} : memref<4352xf32, #tpu.memory_space<vmem>>, vector<16xf32>,
      tpu.vector_store %arg8[%swap3A_814], %broadcast_in_dim3A_811 {strides = array<i32>} : memref<4352xf32, #tpu.memory_space<vmem>>, vector<16xf32>,
    }
    %scan3A_7 = arith.constant 256 : i32
    %scan3A_8 = arith.constant 0 : i32
    %scan3A_9 = arith.constant 0 : i32
    %scan3A_10 = arith.constant 1536 : i32
    %scan3A_11 = arith.addi %scan3A_9, %scan3A_10 : i32
    %scan3A_12 = arith.constant 1 : i32
    scf.for %scan3A_803 = %scan3A_9 to %scan3A_11 step %scan3A_12  : i32 {
      %mul3A_804 = arith.constant 16 : i32
      %mul3A_805 = arith.muli %scan3A_803, %mul3A_804 : i32
      %get3A_806 = arith.index_cast %mul3A_805 : i32 to index
      %get3A_807 = tpu.vector_load %arg5[%get3A_806] {strides = array<i32>} : memref<24576xf32, #tpu.memory_space<vmem>>, vector<16xf32>,
      %bitcast_convert_type3A_808 = tpu.bitcast %get3A_807 : vector<16xf32> -> vector<16xi32>
      %shift_right_arithmetic3A = arith.constant 23 : i32
      %shift_right_arithmetic3A_809 = vector.broadcast %shift_right_arithmetic3A : i32 to vector<16xi32>
      %shift_right_arithmetic3A_810 = arith.shrsi %bitcast_convert_type3A_808, %shift_right_arithmetic3A_809 : vector<16xi32>
      %mul3A_811 = arith.constant 256 : i32
      %mul3A_812 = vector.broadcast %mul3A_811 : i32 to vector<16xi32>
      %mul3A_813 = arith.muli %iota3A, %mul3A_812 : vector<16xi32>
      %add3A_814 = arith.addi %mul3A_813, %shift_right_arithmetic3A_810 : vector<16xi32>
      tpu.vector_store_idx %arg7[%add3A_814], %broadcast_in_dim3A_2 {add = true} : memref<4352xf32, #tpu.memory_space<vmem>>[vector<16xi32>], vector<16xf32>,
      tpu.vector_store_idx %arg8[%add3A_814], %get3A_807 {add = true} : memref<4352xf32, #tpu.memory_space<vmem>>[vector<16xi32>], vector<16xf32>,
    }
    %scan3A_13 = arith.constant 1536 : i32
    %scan3A_14 = arith.constant 0 : i32
    %scan3A_15 = arith.constant 0 : i32
    %scan3A_16 = arith.constant 16 : i32
    %scan3A_17 = arith.addi %scan3A_15, %scan3A_16 : i32
    %scan3A_18 = arith.constant 1 : i32
    scf.for %scan3A_803 = %scan3A_15 to %scan3A_17 step %scan3A_18  : i32 {
      %broadcast_in_dim3A_804 = arith.constant 0.000000e+00 : f32
      %broadcast_in_dim3A_805 = vector.broadcast %broadcast_in_dim3A_804 : f32 to vector<16xf32>
      %broadcast_in_dim3A_806 = arith.constant 0.000000e+00 : f32
      %broadcast_in_dim3A_807 = vector.broadcast %broadcast_in_dim3A_806 : f32 to vector<16xf32>
      %mul3A_808 = arith.constant 16 : i32
      %mul3A_809 = arith.muli %scan3A_803, %mul3A_808 : i32
      %add3A_810 = arith.constant 0 : i32
      %add3A_811 = arith.addi %add3A_810, %mul3A_809 : i32
      %get3A_812 = arith.index_cast %add3A_811 : i32 to index
      %get3A_813 = tpu.vector_load %arg7[%get3A_812] {strides = array<i32>} : memref<4352xf32, #tpu.memory_space<vmem>>, vector<16xf32>,
      %add3A_814 = arith.addf %broadcast_in_dim3A_805, %get3A_813 : vector<16xf32>
      %mul3A_815 = arith.constant 16 : i32
      %mul3A_816 = arith.muli %scan3A_803, %mul3A_815 : i32
      %add3A_817 = arith.constant 0 : i32
      %add3A_818 = arith.addi %add3A_817, %mul3A_816 : i32
      %get3A_819 = arith.index_cast %add3A_818 : i32 to index
      %get3A_820 = tpu.vector_load %arg8[%get3A_819] {strides = array<i32>} : memref<4352xf32, #tpu.memory_space<vmem>>, vector<16xf32>,
      %add3A_821 = arith.addf %broadcast_in_dim3A_807, %get3A_820 : vector<16xf32>
      %mul3A_822 = arith.constant 16 : i32
      %mul3A_823 = arith.muli %scan3A_803, %mul3A_822 : i32
      %add3A_824 = arith.constant 256 : i32
      %add3A_825 = arith.addi %add3A_824, %mul3A_823 : i32
      %get3A_826 = arith.index_cast %add3A_825 : i32 to index
      %get3A_827 = tpu.vector_load %arg7[%get3A_826] {strides = array<i32>} : memref<4352xf32, #tpu.memory_space<vmem>>, vector<16xf32>,
      %add3A_828 = arith.addf %add3A_814, %get3A_827 : vector<16xf32>
      %mul3A_829 = arith.constant 16 : i32
      %mul3A_830 = arith.muli %scan3A_803, %mul3A_829 : i32
      %add3A_831 = arith.constant 256 : i32
      %add3A_832 = arith.addi %add3A_831, %mul3A_830 : i32
      %get3A_833 = arith.index_cast %add3A_832 : i32 to index
      %get3A_834 = tpu.vector_load %arg8[%get3A_833] {strides = array<i32>} : memref<4352xf32, #tpu.memory_space<vmem>>, vector<16xf32>,
      %add3A_835 = arith.addf %add3A_821, %get3A_834 : vector<16xf32>
      %mul3A_836 = arith.constant 16 : i32
      %mul3A_837 = arith.muli %scan3A_803, %mul3A_836 : i32
      %add3A_838 = arith.constant 512 : i32
      %add3A_839 = arith.addi %add3A_838, %mul3A_837 : i32
      %get3A_840 = arith.index_cast %add3A_839 : i32 to index
      %get3A_841 = tpu.vector_load %arg7[%get3A_840] {strides = array<i32>} : memref<4352xf32, #tpu.memory_space<vmem>>, vector<16xf32>,
      %add3A_842 = arith.addf %add3A_828, %get3A_841 : vector<16xf32>
      %mul3A_843 = arith.constant 16 : i32
      %mul3A_844 = arith.muli %scan3A_803, %mul3A_843 : i32
      %add3A_845 = arith.constant 512 : i32
      %add3A_846 = arith.addi %add3A_845, %mul3A_844 : i32
      %get3A_847 = arith.index_cast %add3A_846 : i32 to index
      %get3A_848 = tpu.vector_load %arg8[%get3A_847] {strides = array<i32>} : memref<4352xf32, #tpu.memory_space<vmem>>, vector<16xf32>,
      %add3A_849 = arith.addf %add3A_835, %get3A_848 : vector<16xf32>
      %mul3A_850 = arith.constant 16 : i32
      %mul3A_851 = arith.muli %scan3A_803, %mul3A_850 : i32
      %add3A_852 = arith.constant 768 : i32
      %add3A_853 = arith.addi %add3A_852, %mul3A_851 : i32
      %get3A_854 = arith.index_cast %add3A_853 : i32 to index
      %get3A_855 = tpu.vector_load %arg7[%get3A_854] {strides = array<i32>} : memref<4352xf32, #tpu.memory_space<vmem>>, vector<16xf32>,
      %add3A_856 = arith.addf %add3A_842, %get3A_855 : vector<16xf32>
      %mul3A_857 = arith.constant 16 : i32
      %mul3A_858 = arith.muli %scan3A_803, %mul3A_857 : i32
      %add3A_859 = arith.constant 768 : i32
      %add3A_860 = arith.addi %add3A_859, %mul3A_858 : i32
      %get3A_861 = arith.index_cast %add3A_860 : i32 to index
      %get3A_862 = tpu.vector_load %arg8[%get3A_861] {strides = array<i32>} : memref<4352xf32, #tpu.memory_space<vmem>>, vector<16xf32>,
      %add3A_863 = arith.addf %add3A_849, %get3A_862 : vector<16xf32>
      %mul3A_864 = arith.constant 16 : i32
      %mul3A_865 = arith.muli %scan3A_803, %mul3A_864 : i32
      %add3A_866 = arith.constant 1024 : i32
      %add3A_867 = arith.addi %add3A_866, %mul3A_865 : i32
      %get3A_868 = arith.index_cast %add3A_867 : i32 to index
      %get3A_869 = tpu.vector_load %arg7[%get3A_868] {strides = array<i32>} : memref<4352xf32, #tpu.memory_space<vmem>>, vector<16xf32>,
      %add3A_870 = arith.addf %add3A_856, %get3A_869 : vector<16xf32>
      %mul3A_871 = arith.constant 16 : i32
      %mul3A_872 = arith.muli %scan3A_803, %mul3A_871 : i32
      %add3A_873 = arith.constant 1024 : i32
      %add3A_874 = arith.addi %add3A_873, %mul3A_872 : i32
      %get3A_875 = arith.index_cast %add3A_874 : i32 to index
      %get3A_876 = tpu.vector_load %arg8[%get3A_875] {strides = array<i32>} : memref<4352xf32, #tpu.memory_space<vmem>>, vector<16xf32>,
      %add3A_877 = arith.addf %add3A_863, %get3A_876 : vector<16xf32>
      %mul3A_878 = arith.constant 16 : i32
      %mul3A_879 = arith.muli %scan3A_803, %mul3A_878 : i32
      %add3A_880 = arith.constant 1280 : i32
      %add3A_881 = arith.addi %add3A_880, %mul3A_879 : i32
      %get3A_882 = arith.index_cast %add3A_881 : i32 to index
      %get3A_883 = tpu.vector_load %arg7[%get3A_882] {strides = array<i32>} : memref<4352xf32, #tpu.memory_space<vmem>>, vector<16xf32>,
      %add3A_884 = arith.addf %add3A_870, %get3A_883 : vector<16xf32>
      %mul3A_885 = arith.constant 16 : i32
      %mul3A_886 = arith.muli %scan3A_803, %mul3A_885 : i32
      %add3A_887 = arith.constant 1280 : i32
      %add3A_888 = arith.addi %add3A_887, %mul3A_886 : i32
      %get3A_889 = arith.index_cast %add3A_888 : i32 to index
      %get3A_890 = tpu.vector_load %arg8[%get3A_889] {strides = array<i32>} : memref<4352xf32, #tpu.memory_space<vmem>>, vector<16xf32>,
      %add3A_891 = arith.addf %add3A_877, %get3A_890 : vector<16xf32>
      %mul3A_892 = arith.constant 16 : i32
      %mul3A_893 = arith.muli %scan3A_803, %mul3A_892 : i32
      %add3A_894 = arith.constant 1536 : i32
      %add3A_895 = arith.addi %add3A_894, %mul3A_893 : i32
      %get3A_896 = arith.index_cast %add3A_895 : i32 to index
      %get3A_897 = tpu.vector_load %arg7[%get3A_896] {strides = array<i32>} : memref<4352xf32, #tpu.memory_space<vmem>>, vector<16xf32>,
      %add3A_898 = arith.addf %add3A_884, %get3A_897 : vector<16xf32>
      %mul3A_899 = arith.constant 16 : i32
      %mul3A_900 = arith.muli %scan3A_803, %mul3A_899 : i32
      %add3A_901 = arith.constant 1536 : i32
      %add3A_902 = arith.addi %add3A_901, %mul3A_900 : i32
      %get3A_903 = arith.index_cast %add3A_902 : i32 to index
      %get3A_904 = tpu.vector_load %arg8[%get3A_903] {strides = array<i32>} : memref<4352xf32, #tpu.memory_space<vmem>>, vector<16xf32>,
      %add3A_905 = arith.addf %add3A_891, %get3A_904 : vector<16xf32>
      %mul3A_906 = arith.constant 16 : i32
      %mul3A_907 = arith.muli %scan3A_803, %mul3A_906 : i32
      %add3A_908 = arith.constant 1792 : i32
      %add3A_909 = arith.addi %add3A_908, %mul3A_907 : i32
      %get3A_910 = arith.index_cast %add3A_909 : i32 to index
      %get3A_911 = tpu.vector_load %arg7[%get3A_910] {strides = array<i32>} : memref<4352xf32, #tpu.memory_space<vmem>>, vector<16xf32>,
      %add3A_912 = arith.addf %add3A_898, %get3A_911 : vector<16xf32>
      %mul3A_913 = arith.constant 16 : i32
      %mul3A_914 = arith.muli %scan3A_803, %mul3A_913 : i32
      %add3A_915 = arith.constant 1792 : i32
      %add3A_916 = arith.addi %add3A_915, %mul3A_914 : i32
      %get3A_917 = arith.index_cast %add3A_916 : i32 to index
      %get3A_918 = tpu.vector_load %arg8[%get3A_917] {strides = array<i32>} : memref<4352xf32, #tpu.memory_space<vmem>>, vector<16xf32>,
      %add3A_919 = arith.addf %add3A_905, %get3A_918 : vector<16xf32>
      %mul3A_920 = arith.constant 16 : i32
      %mul3A_921 = arith.muli %scan3A_803, %mul3A_920 : i32
      %add3A_922 = arith.constant 2048 : i32
      %add3A_923 = arith.addi %add3A_922, %mul3A_921 : i32
      %get3A_924 = arith.index_cast %add3A_923 : i32 to index
      %get3A_925 = tpu.vector_load %arg7[%get3A_924] {strides = array<i32>} : memref<4352xf32, #tpu.memory_space<vmem>>, vector<16xf32>,
      %add3A_926 = arith.addf %add3A_912, %get3A_925 : vector<16xf32>
      %mul3A_927 = arith.constant 16 : i32
      %mul3A_928 = arith.muli %scan3A_803, %mul3A_927 : i32
      %add3A_929 = arith.constant 2048 : i32
      %add3A_930 = arith.addi %add3A_929, %mul3A_928 : i32
      %get3A_931 = arith.index_cast %add3A_930 : i32 to index
      %get3A_932 = tpu.vector_load %arg8[%get3A_931] {strides = array<i32>} : memref<4352xf32, #tpu.memory_space<vmem>>, vector<16xf32>,
      %add3A_933 = arith.addf %add3A_919, %get3A_932 : vector<16xf32>
      %mul3A_934 = arith.constant 16 : i32
      %mul3A_935 = arith.muli %scan3A_803, %mul3A_934 : i32
      %add3A_936 = arith.constant 2304 : i32
      %add3A_937 = arith.addi %add3A_936, %mul3A_935 : i32
      %get3A_938 = arith.index_cast %add3A_937 : i32 to index
      %get3A_939 = tpu.vector_load %arg7[%get3A_938] {strides = array<i32>} : memref<4352xf32, #tpu.memory_space<vmem>>, vector<16xf32>,
      %add3A_940 = arith.addf %add3A_926, %get3A_939 : vector<16xf32>
      %mul3A_941 = arith.constant 16 : i32
      %mul3A_942 = arith.muli %scan3A_803, %mul3A_941 : i32
      %add3A_943 = arith.constant 2304 : i32
      %add3A_944 = arith.addi %add3A_943, %mul3A_942 : i32
      %get3A_945 = arith.index_cast %add3A_944 : i32 to index
      %get3A_946 = tpu.vector_load %arg8[%get3A_945] {strides = array<i32>} : memref<4352xf32, #tpu.memory_space<vmem>>, vector<16xf32>,
      %add3A_947 = arith.addf %add3A_933, %get3A_946 : vector<16xf32>
      %mul3A_948 = arith.constant 16 : i32
      %mul3A_949 = arith.muli %scan3A_803, %mul3A_948 : i32
      %add3A_950 = arith.constant 2560 : i32
      %add3A_951 = arith.addi %add3A_950, %mul3A_949 : i32
      %get3A_952 = arith.index_cast %add3A_951 : i32 to index
      %get3A_953 = tpu.vector_load %arg7[%get3A_952] {strides = array<i32>} : memref<4352xf32, #tpu.memory_space<vmem>>, vector<16xf32>,
      %add3A_954 = arith.addf %add3A_940, %get3A_953 : vector<16xf32>
      %mul3A_955 = arith.constant 16 : i32
      %mul3A_956 = arith.muli %scan3A_803, %mul3A_955 : i32
      %add3A_957 = arith.constant 2560 : i32
      %add3A_958 = arith.addi %add3A_957, %mul3A_956 : i32
      %get3A_959 = arith.index_cast %add3A_958 : i32 to index
      %get3A_960 = tpu.vector_load %arg8[%get3A_959] {strides = array<i32>} : memref<4352xf32, #tpu.memory_space<vmem>>, vector<16xf32>,
      %add3A_961 = arith.addf %add3A_947, %get3A_960 : vector<16xf32>
      %mul3A_962 = arith.constant 16 : i32
      %mul3A_963 = arith.muli %scan3A_803, %mul3A_962 : i32
      %add3A_964 = arith.constant 2816 : i32
      %add3A_965 = arith.addi %add3A_964, %mul3A_963 : i32
      %get3A_966 = arith.index_cast %add3A_965 : i32 to index
      %get3A_967 = tpu.vector_load %arg7[%get3A_966] {strides = array<i32>} : memref<4352xf32, #tpu.memory_space<vmem>>, vector<16xf32>,
      %add3A_968 = arith.addf %add3A_954, %get3A_967 : vector<16xf32>
      %mul3A_969 = arith.constant 16 : i32
      %mul3A_970 = arith.muli %scan3A_803, %mul3A_969 : i32
      %add3A_971 = arith.constant 2816 : i32
      %add3A_972 = arith.addi %add3A_971, %mul3A_970 : i32
      %get3A_973 = arith.index_cast %add3A_972 : i32 to index
      %get3A_974 = tpu.vector_load %arg8[%get3A_973] {strides = array<i32>} : memref<4352xf32, #tpu.memory_space<vmem>>, vector<16xf32>,
      %add3A_975 = arith.addf %add3A_961, %get3A_974 : vector<16xf32>
      %mul3A_976 = arith.constant 16 : i32
      %mul3A_977 = arith.muli %scan3A_803, %mul3A_976 : i32
      %add3A_978 = arith.constant 3072 : i32
      %add3A_979 = arith.addi %add3A_978, %mul3A_977 : i32
      %get3A_980 = arith.index_cast %add3A_979 : i32 to index
      %get3A_981 = tpu.vector_load %arg7[%get3A_980] {strides = array<i32>} : memref<4352xf32, #tpu.memory_space<vmem>>, vector<16xf32>,
      %add3A_982 = arith.addf %add3A_968, %get3A_981 : vector<16xf32>
      %mul3A_983 = arith.constant 16 : i32
      %mul3A_984 = arith.muli %scan3A_803, %mul3A_983 : i32
      %add3A_985 = arith.constant 3072 : i32
      %add3A_986 = arith.addi %add3A_985, %mul3A_984 : i32
      %get3A_987 = arith.index_cast %add3A_986 : i32 to index
      %get3A_988 = tpu.vector_load %arg8[%get3A_987] {strides = array<i32>} : memref<4352xf32, #tpu.memory_space<vmem>>, vector<16xf32>,
      %add3A_989 = arith.addf %add3A_975, %get3A_988 : vector<16xf32>
      %mul3A_990 = arith.constant 16 : i32
      %mul3A_991 = arith.muli %scan3A_803, %mul3A_990 : i32
      %add3A_992 = arith.constant 3328 : i32
      %add3A_993 = arith.addi %add3A_992, %mul3A_991 : i32
      %get3A_994 = arith.index_cast %add3A_993 : i32 to index
      %get3A_995 = tpu.vector_load %arg7[%get3A_994] {strides = array<i32>} : memref<4352xf32, #tpu.memory_space<vmem>>, vector<16xf32>,
      %add3A_996 = arith.addf %add3A_982, %get3A_995 : vector<16xf32>
      %mul3A_997 = arith.constant 16 : i32
      %mul3A_998 = arith.muli %scan3A_803, %mul3A_997 : i32
      %add3A_999 = arith.constant 3328 : i32
      %add3A_1000 = arith.addi %add3A_999, %mul3A_998 : i32
      %get3A_1001 = arith.index_cast %add3A_1000 : i32 to index
      %get3A_1002 = tpu.vector_load %arg8[%get3A_1001] {strides = array<i32>} : memref<4352xf32, #tpu.memory_space<vmem>>, vector<16xf32>,
      %add3A_1003 = arith.addf %add3A_989, %get3A_1002 : vector<16xf32>
      %mul3A_1004 = arith.constant 16 : i32
      %mul3A_1005 = arith.muli %scan3A_803, %mul3A_1004 : i32
      %add3A_1006 = arith.constant 3584 : i32
      %add3A_1007 = arith.addi %add3A_1006, %mul3A_1005 : i32
      %get3A_1008 = arith.index_cast %add3A_1007 : i32 to index
      %get3A_1009 = tpu.vector_load %arg7[%get3A_1008] {strides = array<i32>} : memref<4352xf32, #tpu.memory_space<vmem>>, vector<16xf32>,
      %add3A_1010 = arith.addf %add3A_996, %get3A_1009 : vector<16xf32>
      %mul3A_1011 = arith.constant 16 : i32
      %mul3A_1012 = arith.muli %scan3A_803, %mul3A_1011 : i32
      %add3A_1013 = arith.constant 3584 : i32
      %add3A_1014 = arith.addi %add3A_1013, %mul3A_1012 : i32
      %get3A_1015 = arith.index_cast %add3A_1014 : i32 to index
      %get3A_1016 = tpu.vector_load %arg8[%get3A_1015] {strides = array<i32>} : memref<4352xf32, #tpu.memory_space<vmem>>, vector<16xf32>,
      %add3A_1017 = arith.addf %add3A_1003, %get3A_1016 : vector<16xf32>
      %mul3A_1018 = arith.constant 16 : i32
      %mul3A_1019 = arith.muli %scan3A_803, %mul3A_1018 : i32
      %add3A_1020 = arith.constant 3840 : i32
      %add3A_1021 = arith.addi %add3A_1020, %mul3A_1019 : i32
      %get3A_1022 = arith.index_cast %add3A_1021 : i32 to index
      %get3A_1023 = tpu.vector_load %arg7[%get3A_1022] {strides = array<i32>} : memref<4352xf32, #tpu.memory_space<vmem>>, vector<16xf32>,
      %add3A_1024 = arith.addf %add3A_1010, %get3A_1023 : vector<16xf32>
      %mul3A_1025 = arith.constant 16 : i32
      %mul3A_1026 = arith.muli %scan3A_803, %mul3A_1025 : i32
      %add3A_1027 = arith.constant 3840 : i32
      %add3A_1028 = arith.addi %add3A_1027, %mul3A_1026 : i32
      %get3A_1029 = arith.index_cast %add3A_1028 : i32 to index
      %get3A_1030 = tpu.vector_load %arg8[%get3A_1029] {strides = array<i32>} : memref<4352xf32, #tpu.memory_space<vmem>>, vector<16xf32>,
      %add3A_1031 = arith.addf %add3A_1017, %get3A_1030 : vector<16xf32>
      %mul3A_1032 = arith.constant 16 : i32
      %mul3A_1033 = arith.muli %scan3A_803, %mul3A_1032 : i32
      %add3A_1034 = arith.constant 4096 : i32
      %add3A_1035 = arith.addi %add3A_1034, %mul3A_1033 : i32
      %swap3A_1036 = arith.index_cast %add3A_1035 : i32 to index
      %swap3A_1037 = tpu.vector_load %arg7[%swap3A_1036] {strides = array<i32>} : memref<4352xf32, #tpu.memory_space<vmem>>, vector<16xf32>,
      tpu.vector_store %arg7[%swap3A_1036], %add3A_1024 {strides = array<i32>} : memref<4352xf32, #tpu.memory_space<vmem>>, vector<16xf32>,
      %mul3A_1038 = arith.constant 16 : i32
      %mul3A_1039 = arith.muli %scan3A_803, %mul3A_1038 : i32
      %add3A_1040 = arith.constant 4096 : i32
      %add3A_1041 = arith.addi %add3A_1040, %mul3A_1039 : i32
      %swap3A_1042 = arith.index_cast %add3A_1041 : i32 to index
      %swap3A_1043 = tpu.vector_load %arg8[%swap3A_1042] {strides = array<i32>} : memref<4352xf32, #tpu.memory_space<vmem>>, vector<16xf32>,
      tpu.vector_store %arg8[%swap3A_1042], %add3A_1031 {strides = array<i32>} : memref<4352xf32, #tpu.memory_space<vmem>>, vector<16xf32>,
    }
    %scan3A_19 = arith.constant 16 : i32
    %broadcast_in_dim3A_20 = arith.constant 0.000000e+00 : f32
    %broadcast_in_dim3A_21 = vector.broadcast %broadcast_in_dim3A_20 : f32 to vector<16xf32>
    %get3A_22 = arith.constant 4096 : index
    %get3A_23 = tpu.vector_load %arg7[%get3A_22] {strides = array<i32>} : memref<4352xf32, #tpu.memory_space<vmem>>, vector<16xf32>,
    %reduce_sum3A = arith.constant true
    %reduce_sum3A_24 = vector.broadcast %reduce_sum3A : i1 to vector<16xi1>
    %reduce_sum3A_25 = tpu.scan <sum>, %get3A_23 masked %reduce_sum3A_24 : vector<16xf32>, vector<16xi1> -> vector<16xf32>
    %reduce_sum3A_26 = vector.extract %reduce_sum3A_25[15] : f32 from vector<16xf32>
    %mul3A_27 = vector.broadcast %reduce_sum3A_26 : f32 to vector<16xf32>
    %mul3A_28 = arith.mulf %mul3A_27, %broadcast_in_dim3A_2 : vector<16xf32>
    %add3A_29 = arith.addf %broadcast_in_dim3A_21, %mul3A_28 : vector<16xf32>
    %get3A_30 = arith.constant 4112 : index
    %get3A_31 = tpu.vector_load %arg7[%get3A_30] {strides = array<i32>} : memref<4352xf32, #tpu.memory_space<vmem>>, vector<16xf32>,
    %reduce_sum3A_32 = arith.constant true
    %reduce_sum3A_33 = vector.broadcast %reduce_sum3A_32 : i1 to vector<16xi1>
    %reduce_sum3A_34 = tpu.scan <sum>, %get3A_31 masked %reduce_sum3A_33 : vector<16xf32>, vector<16xi1> -> vector<16xf32>
    %reduce_sum3A_35 = vector.extract %reduce_sum3A_34[15] : f32 from vector<16xf32>
    %mul3A_36 = vector.broadcast %reduce_sum3A_35 : f32 to vector<16xf32>
    %mul3A_37 = arith.mulf %mul3A_36, %broadcast_in_dim3A_2 : vector<16xf32>
    %add3A_38 = arith.addf %add3A_29, %mul3A_37 : vector<16xf32>
    %get3A_39 = arith.constant 4128 : index
    %get3A_40 = tpu.vector_load %arg7[%get3A_39] {strides = array<i32>} : memref<4352xf32, #tpu.memory_space<vmem>>, vector<16xf32>,
    %reduce_sum3A_41 = arith.constant true
    %reduce_sum3A_42 = vector.broadcast %reduce_sum3A_41 : i1 to vector<16xi1>
    %reduce_sum3A_43 = tpu.scan <sum>, %get3A_40 masked %reduce_sum3A_42 : vector<16xf32>, vector<16xi1> -> vector<16xf32>
    %reduce_sum3A_44 = vector.extract %reduce_sum3A_43[15] : f32 from vector<16xf32>
    %mul3A_45 = vector.broadcast %reduce_sum3A_44 : f32 to vector<16xf32>
    %mul3A_46 = arith.mulf %mul3A_45, %broadcast_in_dim3A_2 : vector<16xf32>
    %add3A_47 = arith.addf %add3A_38, %mul3A_46 : vector<16xf32>
    %get3A_48 = arith.constant 4144 : index
    %get3A_49 = tpu.vector_load %arg7[%get3A_48] {strides = array<i32>} : memref<4352xf32, #tpu.memory_space<vmem>>, vector<16xf32>,
    %reduce_sum3A_50 = arith.constant true
    %reduce_sum3A_51 = vector.broadcast %reduce_sum3A_50 : i1 to vector<16xi1>
    %reduce_sum3A_52 = tpu.scan <sum>, %get3A_49 masked %reduce_sum3A_51 : vector<16xf32>, vector<16xi1> -> vector<16xf32>
    %reduce_sum3A_53 = vector.extract %reduce_sum3A_52[15] : f32 from vector<16xf32>
    %mul3A_54 = vector.broadcast %reduce_sum3A_53 : f32 to vector<16xf32>
    %mul3A_55 = arith.mulf %mul3A_54, %broadcast_in_dim3A_2 : vector<16xf32>
    %add3A_56 = arith.addf %add3A_47, %mul3A_55 : vector<16xf32>
    %get3A_57 = arith.constant 4160 : index
    %get3A_58 = tpu.vector_load %arg7[%get3A_57] {strides = array<i32>} : memref<4352xf32, #tpu.memory_space<vmem>>, vector<16xf32>,
    %reduce_sum3A_59 = arith.constant true
    %reduce_sum3A_60 = vector.broadcast %reduce_sum3A_59 : i1 to vector<16xi1>
    %reduce_sum3A_61 = tpu.scan <sum>, %get3A_58 masked %reduce_sum3A_60 : vector<16xf32>, vector<16xi1> -> vector<16xf32>
    %reduce_sum3A_62 = vector.extract %reduce_sum3A_61[15] : f32 from vector<16xf32>
    %mul3A_63 = vector.broadcast %reduce_sum3A_62 : f32 to vector<16xf32>
    %mul3A_64 = arith.mulf %mul3A_63, %broadcast_in_dim3A_2 : vector<16xf32>
    %add3A_65 = arith.addf %add3A_56, %mul3A_64 : vector<16xf32>
    %get3A_66 = arith.constant 4176 : index
    %get3A_67 = tpu.vector_load %arg7[%get3A_66] {strides = array<i32>} : memref<4352xf32, #tpu.memory_space<vmem>>, vector<16xf32>,
    %reduce_sum3A_68 = arith.constant true
    %reduce_sum3A_69 = vector.broadcast %reduce_sum3A_68 : i1 to vector<16xi1>
    %reduce_sum3A_70 = tpu.scan <sum>, %get3A_67 masked %reduce_sum3A_69 : vector<16xf32>, vector<16xi1> -> vector<16xf32>
    %reduce_sum3A_71 = vector.extract %reduce_sum3A_70[15] : f32 from vector<16xf32>
    %mul3A_72 = vector.broadcast %reduce_sum3A_71 : f32 to vector<16xf32>
    %mul3A_73 = arith.mulf %mul3A_72, %broadcast_in_dim3A_2 : vector<16xf32>
    %add3A_74 = arith.addf %add3A_65, %mul3A_73 : vector<16xf32>
    %get3A_75 = arith.constant 4192 : index
    %get3A_76 = tpu.vector_load %arg7[%get3A_75] {strides = array<i32>} : memref<4352xf32, #tpu.memory_space<vmem>>, vector<16xf32>,
    %reduce_sum3A_77 = arith.constant true
    %reduce_sum3A_78 = vector.broadcast %reduce_sum3A_77 : i1 to vector<16xi1>
    %reduce_sum3A_79 = tpu.scan <sum>, %get3A_76 masked %reduce_sum3A_78 : vector<16xf32>, vector<16xi1> -> vector<16xf32>
    %reduce_sum3A_80 = vector.extract %reduce_sum3A_79[15] : f32 from vector<16xf32>
    %mul3A_81 = vector.broadcast %reduce_sum3A_80 : f32 to vector<16xf32>
    %mul3A_82 = arith.mulf %mul3A_81, %broadcast_in_dim3A_2 : vector<16xf32>
    %add3A_83 = arith.addf %add3A_74, %mul3A_82 : vector<16xf32>
    %get3A_84 = arith.constant 4208 : index
    %get3A_85 = tpu.vector_load %arg7[%get3A_84] {strides = array<i32>} : memref<4352xf32, #tpu.memory_space<vmem>>, vector<16xf32>,
    %reduce_sum3A_86 = arith.constant true
    %reduce_sum3A_87 = vector.broadcast %reduce_sum3A_86 : i1 to vector<16xi1>
    %reduce_sum3A_88 = tpu.scan <sum>, %get3A_85 masked %reduce_sum3A_87 : vector<16xf32>, vector<16xi1> -> vector<16xf32>
    %reduce_sum3A_89 = vector.extract %reduce_sum3A_88[15] : f32 from vector<16xf32>
    %mul3A_90 = vector.broadcast %reduce_sum3A_89 : f32 to vector<16xf32>
    %mul3A_91 = arith.mulf %mul3A_90, %broadcast_in_dim3A_2 : vector<16xf32>
    %add3A_92 = arith.addf %add3A_83, %mul3A_91 : vector<16xf32>
    %get3A_93 = arith.constant 4224 : index
    %get3A_94 = tpu.vector_load %arg7[%get3A_93] {strides = array<i32>} : memref<4352xf32, #tpu.memory_space<vmem>>, vector<16xf32>,
    %reduce_sum3A_95 = arith.constant true
    %reduce_sum3A_96 = vector.broadcast %reduce_sum3A_95 : i1 to vector<16xi1>
    %reduce_sum3A_97 = tpu.scan <sum>, %get3A_94 masked %reduce_sum3A_96 : vector<16xf32>, vector<16xi1> -> vector<16xf32>
    %reduce_sum3A_98 = vector.extract %reduce_sum3A_97[15] : f32 from vector<16xf32>
    %mul3A_99 = vector.broadcast %reduce_sum3A_98 : f32 to vector<16xf32>
    %mul3A_100 = arith.mulf %mul3A_99, %broadcast_in_dim3A_2 : vector<16xf32>
    %add3A_101 = arith.addf %add3A_92, %mul3A_100 : vector<16xf32>
    %get3A_102 = arith.constant 4240 : index
    %get3A_103 = tpu.vector_load %arg7[%get3A_102] {strides = array<i32>} : memref<4352xf32, #tpu.memory_space<vmem>>, vector<16xf32>,
    %reduce_sum3A_104 = arith.constant true
    %reduce_sum3A_105 = vector.broadcast %reduce_sum3A_104 : i1 to vector<16xi1>
    %reduce_sum3A_106 = tpu.scan <sum>, %get3A_103 masked %reduce_sum3A_105 : vector<16xf32>, vector<16xi1> -> vector<16xf32>
    %reduce_sum3A_107 = vector.extract %reduce_sum3A_106[15] : f32 from vector<16xf32>
    %mul3A_108 = vector.broadcast %reduce_sum3A_107 : f32 to vector<16xf32>
    %mul3A_109 = arith.mulf %mul3A_108, %broadcast_in_dim3A_2 : vector<16xf32>
    %add3A_110 = arith.addf %add3A_101, %mul3A_109 : vector<16xf32>
    %get3A_111 = arith.constant 4256 : index
    %get3A_112 = tpu.vector_load %arg7[%get3A_111] {strides = array<i32>} : memref<4352xf32, #tpu.memory_space<vmem>>, vector<16xf32>,
    %reduce_sum3A_113 = arith.constant true
    %reduce_sum3A_114 = vector.broadcast %reduce_sum3A_113 : i1 to vector<16xi1>
    %reduce_sum3A_115 = tpu.scan <sum>, %get3A_112 masked %reduce_sum3A_114 : vector<16xf32>, vector<16xi1> -> vector<16xf32>
    %reduce_sum3A_116 = vector.extract %reduce_sum3A_115[15] : f32 from vector<16xf32>
    %mul3A_117 = vector.broadcast %reduce_sum3A_116 : f32 to vector<16xf32>
    %mul3A_118 = arith.mulf %mul3A_117, %broadcast_in_dim3A_2 : vector<16xf32>
    %add3A_119 = arith.addf %add3A_110, %mul3A_118 : vector<16xf32>
    %get3A_120 = arith.constant 4272 : index
    %get3A_121 = tpu.vector_load %arg7[%get3A_120] {strides = array<i32>} : memref<4352xf32, #tpu.memory_space<vmem>>, vector<16xf32>,
    %reduce_sum3A_122 = arith.constant true
    %reduce_sum3A_123 = vector.broadcast %reduce_sum3A_122 : i1 to vector<16xi1>
    %reduce_sum3A_124 = tpu.scan <sum>, %get3A_121 masked %reduce_sum3A_123 : vector<16xf32>, vector<16xi1> -> vector<16xf32>
    %reduce_sum3A_125 = vector.extract %reduce_sum3A_124[15] : f32 from vector<16xf32>
    %mul3A_126 = vector.broadcast %reduce_sum3A_125 : f32 to vector<16xf32>
    %mul3A_127 = arith.mulf %mul3A_126, %broadcast_in_dim3A_2 : vector<16xf32>
    %add3A_128 = arith.addf %add3A_119, %mul3A_127 : vector<16xf32>
    %get3A_129 = arith.constant 4288 : index
    %get3A_130 = tpu.vector_load %arg7[%get3A_129] {strides = array<i32>} : memref<4352xf32, #tpu.memory_space<vmem>>, vector<16xf32>,
    %reduce_sum3A_131 = arith.constant true
    %reduce_sum3A_132 = vector.broadcast %reduce_sum3A_131 : i1 to vector<16xi1>
    %reduce_sum3A_133 = tpu.scan <sum>, %get3A_130 masked %reduce_sum3A_132 : vector<16xf32>, vector<16xi1> -> vector<16xf32>
    %reduce_sum3A_134 = vector.extract %reduce_sum3A_133[15] : f32 from vector<16xf32>
    %mul3A_135 = vector.broadcast %reduce_sum3A_134 : f32 to vector<16xf32>
    %mul3A_136 = arith.mulf %mul3A_135, %broadcast_in_dim3A_2 : vector<16xf32>
    %add3A_137 = arith.addf %add3A_128, %mul3A_136 : vector<16xf32>
    %get3A_138 = arith.constant 4304 : index
    %get3A_139 = tpu.vector_load %arg7[%get3A_138] {strides = array<i32>} : memref<4352xf32, #tpu.memory_space<vmem>>, vector<16xf32>,
    %reduce_sum3A_140 = arith.constant true
    %reduce_sum3A_141 = vector.broadcast %reduce_sum3A_140 : i1 to vector<16xi1>
    %reduce_sum3A_142 = tpu.scan <sum>, %get3A_139 masked %reduce_sum3A_141 : vector<16xf32>, vector<16xi1> -> vector<16xf32>
    %reduce_sum3A_143 = vector.extract %reduce_sum3A_142[15] : f32 from vector<16xf32>
    %mul3A_144 = vector.broadcast %reduce_sum3A_143 : f32 to vector<16xf32>
    %mul3A_145 = arith.mulf %mul3A_144, %broadcast_in_dim3A_2 : vector<16xf32>
    %add3A_146 = arith.addf %add3A_137, %mul3A_145 : vector<16xf32>
    %get3A_147 = arith.constant 4320 : index
    %get3A_148 = tpu.vector_load %arg7[%get3A_147] {strides = array<i32>} : memref<4352xf32, #tpu.memory_space<vmem>>, vector<16xf32>,
    %reduce_sum3A_149 = arith.constant true
    %reduce_sum3A_150 = vector.broadcast %reduce_sum3A_149 : i1 to vector<16xi1>
    %reduce_sum3A_151 = tpu.scan <sum>, %get3A_148 masked %reduce_sum3A_150 : vector<16xf32>, vector<16xi1> -> vector<16xf32>
    %reduce_sum3A_152 = vector.extract %reduce_sum3A_151[15] : f32 from vector<16xf32>
    %mul3A_153 = vector.broadcast %reduce_sum3A_152 : f32 to vector<16xf32>
    %mul3A_154 = arith.mulf %mul3A_153, %broadcast_in_dim3A_2 : vector<16xf32>
    %add3A_155 = arith.addf %add3A_146, %mul3A_154 : vector<16xf32>
    %get3A_156 = arith.constant 4336 : index
    %get3A_157 = tpu.vector_load %arg7[%get3A_156] {strides = array<i32>} : memref<4352xf32, #tpu.memory_space<vmem>>, vector<16xf32>,
    %reduce_sum3A_158 = arith.constant true
    %reduce_sum3A_159 = vector.broadcast %reduce_sum3A_158 : i1 to vector<16xi1>
    %reduce_sum3A_160 = tpu.scan <sum>, %get3A_157 masked %reduce_sum3A_159 : vector<16xf32>, vector<16xi1> -> vector<16xf32>
    %reduce_sum3A_161 = vector.extract %reduce_sum3A_160[15] : f32 from vector<16xf32>
    %mul3A_162 = vector.broadcast %reduce_sum3A_161 : f32 to vector<16xf32>
    %mul3A_163 = arith.mulf %mul3A_162, %broadcast_in_dim3A_2 : vector<16xf32>
    %add3A_164 = arith.addf %add3A_155, %mul3A_163 : vector<16xf32>
    %convert_element_type3A = arith.sitofp %get3A_1 : vector<16xi32> to vector<16xf32>
    %broadcast_in_dim3A_165 = arith.constant 0.000000e+00 : f32
    %broadcast_in_dim3A_166 = vector.broadcast %broadcast_in_dim3A_165 : f32 to vector<16xf32>
    %broadcast_in_dim3A_167 = arith.constant 0 : i32
    %broadcast_in_dim3A_168 = vector.broadcast %broadcast_in_dim3A_167 : i32 to vector<16xi32>
    %get3A_169 = arith.constant 4096 : index
    %get3A_170 = tpu.vector_load %arg7[%get3A_169] {strides = array<i32>} : memref<4352xf32, #tpu.memory_space<vmem>>, vector<16xf32>,
    %broadcast_in_dim3A_171 = arith.constant true
    %broadcast_in_dim3A_172 = vector.broadcast %broadcast_in_dim3A_171 : i1 to vector<16xi1>
    %masked_cumsum3A = tpu.scan <sum>, %get3A_170 masked %broadcast_in_dim3A_172 : vector<16xf32>, vector<16xi1> -> vector<16xf32>
    %add3A_173 = arith.addf %masked_cumsum3A, %broadcast_in_dim3A_166 : vector<16xf32>
    %reduce_sum3A_174 = arith.constant true
    %reduce_sum3A_175 = vector.broadcast %reduce_sum3A_174 : i1 to vector<16xi1>
    %reduce_sum3A_176 = tpu.scan <sum>, %get3A_170 masked %reduce_sum3A_175 : vector<16xf32>, vector<16xi1> -> vector<16xf32>
    %reduce_sum3A_177 = vector.extract %reduce_sum3A_176[15] : f32 from vector<16xf32>
    %mul3A_178 = vector.broadcast %reduce_sum3A_177 : f32 to vector<16xf32>
    %mul3A_179 = arith.mulf %mul3A_178, %broadcast_in_dim3A_2 : vector<16xf32>
    %add3A_180 = arith.addf %broadcast_in_dim3A_166, %mul3A_179 : vector<16xf32>
    %sub3A = arith.subf %add3A_164, %add3A_173 : vector<16xf32>
    %add3A_181 = arith.addf %sub3A, %get3A_170 : vector<16xf32>
    %ge3A = arith.cmpf oge, %add3A_181, %convert_element_type3A : vector<16xf32>
    %all_reduce_population_count3A = tpu.all_reduce %ge3A {dim = 0 : i64, kind = #tpu.reduction_kind<sum>} : vector<16xi1> -> vector<16xi32>
    %add3A_182 = arith.addi %broadcast_in_dim3A_168, %all_reduce_population_count3A : vector<16xi32>
    %get3A_183 = arith.constant 4112 : index
    %get3A_184 = tpu.vector_load %arg7[%get3A_183] {strides = array<i32>} : memref<4352xf32, #tpu.memory_space<vmem>>, vector<16xf32>,
    %broadcast_in_dim3A_185 = arith.constant true
    %broadcast_in_dim3A_186 = vector.broadcast %broadcast_in_dim3A_185 : i1 to vector<16xi1>
    %masked_cumsum3A_187 = tpu.scan <sum>, %get3A_184 masked %broadcast_in_dim3A_186 : vector<16xf32>, vector<16xi1> -> vector<16xf32>
    %add3A_188 = arith.addf %masked_cumsum3A_187, %add3A_180 : vector<16xf32>
    %reduce_sum3A_189 = arith.constant true
    %reduce_sum3A_190 = vector.broadcast %reduce_sum3A_189 : i1 to vector<16xi1>
    %reduce_sum3A_191 = tpu.scan <sum>, %get3A_184 masked %reduce_sum3A_190 : vector<16xf32>, vector<16xi1> -> vector<16xf32>
    %reduce_sum3A_192 = vector.extract %reduce_sum3A_191[15] : f32 from vector<16xf32>
    %mul3A_193 = vector.broadcast %reduce_sum3A_192 : f32 to vector<16xf32>
    %mul3A_194 = arith.mulf %mul3A_193, %broadcast_in_dim3A_2 : vector<16xf32>
    %add3A_195 = arith.addf %add3A_180, %mul3A_194 : vector<16xf32>
    %sub3A_196 = arith.subf %add3A_164, %add3A_188 : vector<16xf32>
    %add3A_197 = arith.addf %sub3A_196, %get3A_184 : vector<16xf32>
    %ge3A_198 = arith.cmpf oge, %add3A_197, %convert_element_type3A : vector<16xf32>
    %all_reduce_population_count3A_199 = tpu.all_reduce %ge3A_198 {dim = 0 : i64, kind = #tpu.reduction_kind<sum>} : vector<16xi1> -> vector<16xi32>
    %add3A_200 = arith.addi %add3A_182, %all_reduce_population_count3A_199 : vector<16xi32>
    %get3A_201 = arith.constant 4128 : index
    %get3A_202 = tpu.vector_load %arg7[%get3A_201] {strides = array<i32>} : memref<4352xf32, #tpu.memory_space<vmem>>, vector<16xf32>,
    %broadcast_in_dim3A_203 = arith.constant true
    %broadcast_in_dim3A_204 = vector.broadcast %broadcast_in_dim3A_203 : i1 to vector<16xi1>
    %masked_cumsum3A_205 = tpu.scan <sum>, %get3A_202 masked %broadcast_in_dim3A_204 : vector<16xf32>, vector<16xi1> -> vector<16xf32>
    %add3A_206 = arith.addf %masked_cumsum3A_205, %add3A_195 : vector<16xf32>
    %reduce_sum3A_207 = arith.constant true
    %reduce_sum3A_208 = vector.broadcast %reduce_sum3A_207 : i1 to vector<16xi1>
    %reduce_sum3A_209 = tpu.scan <sum>, %get3A_202 masked %reduce_sum3A_208 : vector<16xf32>, vector<16xi1> -> vector<16xf32>
    %reduce_sum3A_210 = vector.extract %reduce_sum3A_209[15] : f32 from vector<16xf32>
    %mul3A_211 = vector.broadcast %reduce_sum3A_210 : f32 to vector<16xf32>
    %mul3A_212 = arith.mulf %mul3A_211, %broadcast_in_dim3A_2 : vector<16xf32>
    %add3A_213 = arith.addf %add3A_195, %mul3A_212 : vector<16xf32>
    %sub3A_214 = arith.subf %add3A_164, %add3A_206 : vector<16xf32>
    %add3A_215 = arith.addf %sub3A_214, %get3A_202 : vector<16xf32>
    %ge3A_216 = arith.cmpf oge, %add3A_215, %convert_element_type3A : vector<16xf32>
    %all_reduce_population_count3A_217 = tpu.all_reduce %ge3A_216 {dim = 0 : i64, kind = #tpu.reduction_kind<sum>} : vector<16xi1> -> vector<16xi32>
    %add3A_218 = arith.addi %add3A_200, %all_reduce_population_count3A_217 : vector<16xi32>
    %get3A_219 = arith.constant 4144 : index
    %get3A_220 = tpu.vector_load %arg7[%get3A_219] {strides = array<i32>} : memref<4352xf32, #tpu.memory_space<vmem>>, vector<16xf32>,
    %broadcast_in_dim3A_221 = arith.constant true
    %broadcast_in_dim3A_222 = vector.broadcast %broadcast_in_dim3A_221 : i1 to vector<16xi1>
    %masked_cumsum3A_223 = tpu.scan <sum>, %get3A_220 masked %broadcast_in_dim3A_222 : vector<16xf32>, vector<16xi1> -> vector<16xf32>
    %add3A_224 = arith.addf %masked_cumsum3A_223, %add3A_213 : vector<16xf32>
    %reduce_sum3A_225 = arith.constant true
    %reduce_sum3A_226 = vector.broadcast %reduce_sum3A_225 : i1 to vector<16xi1>
    %reduce_sum3A_227 = tpu.scan <sum>, %get3A_220 masked %reduce_sum3A_226 : vector<16xf32>, vector<16xi1> -> vector<16xf32>
    %reduce_sum3A_228 = vector.extract %reduce_sum3A_227[15] : f32 from vector<16xf32>
    %mul3A_229 = vector.broadcast %reduce_sum3A_228 : f32 to vector<16xf32>
    %mul3A_230 = arith.mulf %mul3A_229, %broadcast_in_dim3A_2 : vector<16xf32>
    %add3A_231 = arith.addf %add3A_213, %mul3A_230 : vector<16xf32>
    %sub3A_232 = arith.subf %add3A_164, %add3A_224 : vector<16xf32>
    %add3A_233 = arith.addf %sub3A_232, %get3A_220 : vector<16xf32>
    %ge3A_234 = arith.cmpf oge, %add3A_233, %convert_element_type3A : vector<16xf32>
    %all_reduce_population_count3A_235 = tpu.all_reduce %ge3A_234 {dim = 0 : i64, kind = #tpu.reduction_kind<sum>} : vector<16xi1> -> vector<16xi32>
    %add3A_236 = arith.addi %add3A_218, %all_reduce_population_count3A_235 : vector<16xi32>
    %get3A_237 = arith.constant 4160 : index
    %get3A_238 = tpu.vector_load %arg7[%get3A_237] {strides = array<i32>} : memref<4352xf32, #tpu.memory_space<vmem>>, vector<16xf32>,
    %broadcast_in_dim3A_239 = arith.constant true
    %broadcast_in_dim3A_240 = vector.broadcast %broadcast_in_dim3A_239 : i1 to vector<16xi1>
    %masked_cumsum3A_241 = tpu.scan <sum>, %get3A_238 masked %broadcast_in_dim3A_240 : vector<16xf32>, vector<16xi1> -> vector<16xf32>
    %add3A_242 = arith.addf %masked_cumsum3A_241, %add3A_231 : vector<16xf32>
    %reduce_sum3A_243 = arith.constant true
    %reduce_sum3A_244 = vector.broadcast %reduce_sum3A_243 : i1 to vector<16xi1>
    %reduce_sum3A_245 = tpu.scan <sum>, %get3A_238 masked %reduce_sum3A_244 : vector<16xf32>, vector<16xi1> -> vector<16xf32>
    %reduce_sum3A_246 = vector.extract %reduce_sum3A_245[15] : f32 from vector<16xf32>
    %mul3A_247 = vector.broadcast %reduce_sum3A_246 : f32 to vector<16xf32>
    %mul3A_248 = arith.mulf %mul3A_247, %broadcast_in_dim3A_2 : vector<16xf32>
    %add3A_249 = arith.addf %add3A_231, %mul3A_248 : vector<16xf32>
    %sub3A_250 = arith.subf %add3A_164, %add3A_242 : vector<16xf32>
    %add3A_251 = arith.addf %sub3A_250, %get3A_238 : vector<16xf32>
    %ge3A_252 = arith.cmpf oge, %add3A_251, %convert_element_type3A : vector<16xf32>
    %all_reduce_population_count3A_253 = tpu.all_reduce %ge3A_252 {dim = 0 : i64, kind = #tpu.reduction_kind<sum>} : vector<16xi1> -> vector<16xi32>
    %add3A_254 = arith.addi %add3A_236, %all_reduce_population_count3A_253 : vector<16xi32>
    %get3A_255 = arith.constant 4176 : index
    %get3A_256 = tpu.vector_load %arg7[%get3A_255] {strides = array<i32>} : memref<4352xf32, #tpu.memory_space<vmem>>, vector<16xf32>,
    %broadcast_in_dim3A_257 = arith.constant true
    %broadcast_in_dim3A_258 = vector.broadcast %broadcast_in_dim3A_257 : i1 to vector<16xi1>
    %masked_cumsum3A_259 = tpu.scan <sum>, %get3A_256 masked %broadcast_in_dim3A_258 : vector<16xf32>, vector<16xi1> -> vector<16xf32>
    %add3A_260 = arith.addf %masked_cumsum3A_259, %add3A_249 : vector<16xf32>
    %reduce_sum3A_261 = arith.constant true
    %reduce_sum3A_262 = vector.broadcast %reduce_sum3A_261 : i1 to vector<16xi1>
    %reduce_sum3A_263 = tpu.scan <sum>, %get3A_256 masked %reduce_sum3A_262 : vector<16xf32>, vector<16xi1> -> vector<16xf32>
    %reduce_sum3A_264 = vector.extract %reduce_sum3A_263[15] : f32 from vector<16xf32>
    %mul3A_265 = vector.broadcast %reduce_sum3A_264 : f32 to vector<16xf32>
    %mul3A_266 = arith.mulf %mul3A_265, %broadcast_in_dim3A_2 : vector<16xf32>
    %add3A_267 = arith.addf %add3A_249, %mul3A_266 : vector<16xf32>
    %sub3A_268 = arith.subf %add3A_164, %add3A_260 : vector<16xf32>
    %add3A_269 = arith.addf %sub3A_268, %get3A_256 : vector<16xf32>
    %ge3A_270 = arith.cmpf oge, %add3A_269, %convert_element_type3A : vector<16xf32>
    %all_reduce_population_count3A_271 = tpu.all_reduce %ge3A_270 {dim = 0 : i64, kind = #tpu.reduction_kind<sum>} : vector<16xi1> -> vector<16xi32>
    %add3A_272 = arith.addi %add3A_254, %all_reduce_population_count3A_271 : vector<16xi32>
    %get3A_273 = arith.constant 4192 : index
    %get3A_274 = tpu.vector_load %arg7[%get3A_273] {strides = array<i32>} : memref<4352xf32, #tpu.memory_space<vmem>>, vector<16xf32>,
    %broadcast_in_dim3A_275 = arith.constant true
    %broadcast_in_dim3A_276 = vector.broadcast %broadcast_in_dim3A_275 : i1 to vector<16xi1>
    %masked_cumsum3A_277 = tpu.scan <sum>, %get3A_274 masked %broadcast_in_dim3A_276 : vector<16xf32>, vector<16xi1> -> vector<16xf32>
    %add3A_278 = arith.addf %masked_cumsum3A_277, %add3A_267 : vector<16xf32>
    %reduce_sum3A_279 = arith.constant true
    %reduce_sum3A_280 = vector.broadcast %reduce_sum3A_279 : i1 to vector<16xi1>
    %reduce_sum3A_281 = tpu.scan <sum>, %get3A_274 masked %reduce_sum3A_280 : vector<16xf32>, vector<16xi1> -> vector<16xf32>
    %reduce_sum3A_282 = vector.extract %reduce_sum3A_281[15] : f32 from vector<16xf32>
    %mul3A_283 = vector.broadcast %reduce_sum3A_282 : f32 to vector<16xf32>
    %mul3A_284 = arith.mulf %mul3A_283, %broadcast_in_dim3A_2 : vector<16xf32>
    %add3A_285 = arith.addf %add3A_267, %mul3A_284 : vector<16xf32>
    %sub3A_286 = arith.subf %add3A_164, %add3A_278 : vector<16xf32>
    %add3A_287 = arith.addf %sub3A_286, %get3A_274 : vector<16xf32>
    %ge3A_288 = arith.cmpf oge, %add3A_287, %convert_element_type3A : vector<16xf32>
    %all_reduce_population_count3A_289 = tpu.all_reduce %ge3A_288 {dim = 0 : i64, kind = #tpu.reduction_kind<sum>} : vector<16xi1> -> vector<16xi32>
    %add3A_290 = arith.addi %add3A_272, %all_reduce_population_count3A_289 : vector<16xi32>
    %get3A_291 = arith.constant 4208 : index
    %get3A_292 = tpu.vector_load %arg7[%get3A_291] {strides = array<i32>} : memref<4352xf32, #tpu.memory_space<vmem>>, vector<16xf32>,
    %broadcast_in_dim3A_293 = arith.constant true
    %broadcast_in_dim3A_294 = vector.broadcast %broadcast_in_dim3A_293 : i1 to vector<16xi1>
    %masked_cumsum3A_295 = tpu.scan <sum>, %get3A_292 masked %broadcast_in_dim3A_294 : vector<16xf32>, vector<16xi1> -> vector<16xf32>
    %add3A_296 = arith.addf %masked_cumsum3A_295, %add3A_285 : vector<16xf32>
    %reduce_sum3A_297 = arith.constant true
    %reduce_sum3A_298 = vector.broadcast %reduce_sum3A_297 : i1 to vector<16xi1>
    %reduce_sum3A_299 = tpu.scan <sum>, %get3A_292 masked %reduce_sum3A_298 : vector<16xf32>, vector<16xi1> -> vector<16xf32>
    %reduce_sum3A_300 = vector.extract %reduce_sum3A_299[15] : f32 from vector<16xf32>
    %mul3A_301 = vector.broadcast %reduce_sum3A_300 : f32 to vector<16xf32>
    %mul3A_302 = arith.mulf %mul3A_301, %broadcast_in_dim3A_2 : vector<16xf32>
    %add3A_303 = arith.addf %add3A_285, %mul3A_302 : vector<16xf32>
    %sub3A_304 = arith.subf %add3A_164, %add3A_296 : vector<16xf32>
    %add3A_305 = arith.addf %sub3A_304, %get3A_292 : vector<16xf32>
    %ge3A_306 = arith.cmpf oge, %add3A_305, %convert_element_type3A : vector<16xf32>
    %all_reduce_population_count3A_307 = tpu.all_reduce %ge3A_306 {dim = 0 : i64, kind = #tpu.reduction_kind<sum>} : vector<16xi1> -> vector<16xi32>
    %add3A_308 = arith.addi %add3A_290, %all_reduce_population_count3A_307 : vector<16xi32>
    %get3A_309 = arith.constant 4224 : index
    %get3A_310 = tpu.vector_load %arg7[%get3A_309] {strides = array<i32>} : memref<4352xf32, #tpu.memory_space<vmem>>, vector<16xf32>,
    %broadcast_in_dim3A_311 = arith.constant true
    %broadcast_in_dim3A_312 = vector.broadcast %broadcast_in_dim3A_311 : i1 to vector<16xi1>
    %masked_cumsum3A_313 = tpu.scan <sum>, %get3A_310 masked %broadcast_in_dim3A_312 : vector<16xf32>, vector<16xi1> -> vector<16xf32>
    %add3A_314 = arith.addf %masked_cumsum3A_313, %add3A_303 : vector<16xf32>
    %reduce_sum3A_315 = arith.constant true
    %reduce_sum3A_316 = vector.broadcast %reduce_sum3A_315 : i1 to vector<16xi1>
    %reduce_sum3A_317 = tpu.scan <sum>, %get3A_310 masked %reduce_sum3A_316 : vector<16xf32>, vector<16xi1> -> vector<16xf32>
    %reduce_sum3A_318 = vector.extract %reduce_sum3A_317[15] : f32 from vector<16xf32>
    %mul3A_319 = vector.broadcast %reduce_sum3A_318 : f32 to vector<16xf32>
    %mul3A_320 = arith.mulf %mul3A_319, %broadcast_in_dim3A_2 : vector<16xf32>
    %add3A_321 = arith.addf %add3A_303, %mul3A_320 : vector<16xf32>
    %sub3A_322 = arith.subf %add3A_164, %add3A_314 : vector<16xf32>
    %add3A_323 = arith.addf %sub3A_322, %get3A_310 : vector<16xf32>
    %ge3A_324 = arith.cmpf oge, %add3A_323, %convert_element_type3A : vector<16xf32>
    %all_reduce_population_count3A_325 = tpu.all_reduce %ge3A_324 {dim = 0 : i64, kind = #tpu.reduction_kind<sum>} : vector<16xi1> -> vector<16xi32>
    %add3A_326 = arith.addi %add3A_308, %all_reduce_population_count3A_325 : vector<16xi32>
    %get3A_327 = arith.constant 4240 : index
    %get3A_328 = tpu.vector_load %arg7[%get3A_327] {strides = array<i32>} : memref<4352xf32, #tpu.memory_space<vmem>>, vector<16xf32>,
    %broadcast_in_dim3A_329 = arith.constant true
    %broadcast_in_dim3A_330 = vector.broadcast %broadcast_in_dim3A_329 : i1 to vector<16xi1>
    %masked_cumsum3A_331 = tpu.scan <sum>, %get3A_328 masked %broadcast_in_dim3A_330 : vector<16xf32>, vector<16xi1> -> vector<16xf32>
    %add3A_332 = arith.addf %masked_cumsum3A_331, %add3A_321 : vector<16xf32>
    %reduce_sum3A_333 = arith.constant true
    %reduce_sum3A_334 = vector.broadcast %reduce_sum3A_333 : i1 to vector<16xi1>
    %reduce_sum3A_335 = tpu.scan <sum>, %get3A_328 masked %reduce_sum3A_334 : vector<16xf32>, vector<16xi1> -> vector<16xf32>
    %reduce_sum3A_336 = vector.extract %reduce_sum3A_335[15] : f32 from vector<16xf32>
    %mul3A_337 = vector.broadcast %reduce_sum3A_336 : f32 to vector<16xf32>
    %mul3A_338 = arith.mulf %mul3A_337, %broadcast_in_dim3A_2 : vector<16xf32>
    %add3A_339 = arith.addf %add3A_321, %mul3A_338 : vector<16xf32>
    %sub3A_340 = arith.subf %add3A_164, %add3A_332 : vector<16xf32>
    %add3A_341 = arith.addf %sub3A_340, %get3A_328 : vector<16xf32>
    %ge3A_342 = arith.cmpf oge, %add3A_341, %convert_element_type3A : vector<16xf32>
    %all_reduce_population_count3A_343 = tpu.all_reduce %ge3A_342 {dim = 0 : i64, kind = #tpu.reduction_kind<sum>} : vector<16xi1> -> vector<16xi32>
    %add3A_344 = arith.addi %add3A_326, %all_reduce_population_count3A_343 : vector<16xi32>
    %get3A_345 = arith.constant 4256 : index
    %get3A_346 = tpu.vector_load %arg7[%get3A_345] {strides = array<i32>} : memref<4352xf32, #tpu.memory_space<vmem>>, vector<16xf32>,
    %broadcast_in_dim3A_347 = arith.constant true
    %broadcast_in_dim3A_348 = vector.broadcast %broadcast_in_dim3A_347 : i1 to vector<16xi1>
    %masked_cumsum3A_349 = tpu.scan <sum>, %get3A_346 masked %broadcast_in_dim3A_348 : vector<16xf32>, vector<16xi1> -> vector<16xf32>
    %add3A_350 = arith.addf %masked_cumsum3A_349, %add3A_339 : vector<16xf32>
    %reduce_sum3A_351 = arith.constant true
    %reduce_sum3A_352 = vector.broadcast %reduce_sum3A_351 : i1 to vector<16xi1>
    %reduce_sum3A_353 = tpu.scan <sum>, %get3A_346 masked %reduce_sum3A_352 : vector<16xf32>, vector<16xi1> -> vector<16xf32>
    %reduce_sum3A_354 = vector.extract %reduce_sum3A_353[15] : f32 from vector<16xf32>
    %mul3A_355 = vector.broadcast %reduce_sum3A_354 : f32 to vector<16xf32>
    %mul3A_356 = arith.mulf %mul3A_355, %broadcast_in_dim3A_2 : vector<16xf32>
    %add3A_357 = arith.addf %add3A_339, %mul3A_356 : vector<16xf32>
    %sub3A_358 = arith.subf %add3A_164, %add3A_350 : vector<16xf32>
    %add3A_359 = arith.addf %sub3A_358, %get3A_346 : vector<16xf32>
    %ge3A_360 = arith.cmpf oge, %add3A_359, %convert_element_type3A : vector<16xf32>
    %all_reduce_population_count3A_361 = tpu.all_reduce %ge3A_360 {dim = 0 : i64, kind = #tpu.reduction_kind<sum>} : vector<16xi1> -> vector<16xi32>
    %add3A_362 = arith.addi %add3A_344, %all_reduce_population_count3A_361 : vector<16xi32>
    %get3A_363 = arith.constant 4272 : index
    %get3A_364 = tpu.vector_load %arg7[%get3A_363] {strides = array<i32>} : memref<4352xf32, #tpu.memory_space<vmem>>, vector<16xf32>,
    %broadcast_in_dim3A_365 = arith.constant true
    %broadcast_in_dim3A_366 = vector.broadcast %broadcast_in_dim3A_365 : i1 to vector<16xi1>
    %masked_cumsum3A_367 = tpu.scan <sum>, %get3A_364 masked %broadcast_in_dim3A_366 : vector<16xf32>, vector<16xi1> -> vector<16xf32>
    %add3A_368 = arith.addf %masked_cumsum3A_367, %add3A_357 : vector<16xf32>
    %reduce_sum3A_369 = arith.constant true
    %reduce_sum3A_370 = vector.broadcast %reduce_sum3A_369 : i1 to vector<16xi1>
    %reduce_sum3A_371 = tpu.scan <sum>, %get3A_364 masked %reduce_sum3A_370 : vector<16xf32>, vector<16xi1> -> vector<16xf32>
    %reduce_sum3A_372 = vector.extract %reduce_sum3A_371[15] : f32 from vector<16xf32>
    %mul3A_373 = vector.broadcast %reduce_sum3A_372 : f32 to vector<16xf32>
    %mul3A_374 = arith.mulf %mul3A_373, %broadcast_in_dim3A_2 : vector<16xf32>
    %add3A_375 = arith.addf %add3A_357, %mul3A_374 : vector<16xf32>
    %sub3A_376 = arith.subf %add3A_164, %add3A_368 : vector<16xf32>
    %add3A_377 = arith.addf %sub3A_376, %get3A_364 : vector<16xf32>
    %ge3A_378 = arith.cmpf oge, %add3A_377, %convert_element_type3A : vector<16xf32>
    %all_reduce_population_count3A_379 = tpu.all_reduce %ge3A_378 {dim = 0 : i64, kind = #tpu.reduction_kind<sum>} : vector<16xi1> -> vector<16xi32>
    %add3A_380 = arith.addi %add3A_362, %all_reduce_population_count3A_379 : vector<16xi32>
    %get3A_381 = arith.constant 4288 : index
    %get3A_382 = tpu.vector_load %arg7[%get3A_381] {strides = array<i32>} : memref<4352xf32, #tpu.memory_space<vmem>>, vector<16xf32>,
    %broadcast_in_dim3A_383 = arith.constant true
    %broadcast_in_dim3A_384 = vector.broadcast %broadcast_in_dim3A_383 : i1 to vector<16xi1>
    %masked_cumsum3A_385 = tpu.scan <sum>, %get3A_382 masked %broadcast_in_dim3A_384 : vector<16xf32>, vector<16xi1> -> vector<16xf32>
    %add3A_386 = arith.addf %masked_cumsum3A_385, %add3A_375 : vector<16xf32>
    %reduce_sum3A_387 = arith.constant true
    %reduce_sum3A_388 = vector.broadcast %reduce_sum3A_387 : i1 to vector<16xi1>
    %reduce_sum3A_389 = tpu.scan <sum>, %get3A_382 masked %reduce_sum3A_388 : vector<16xf32>, vector<16xi1> -> vector<16xf32>
    %reduce_sum3A_390 = vector.extract %reduce_sum3A_389[15] : f32 from vector<16xf32>
    %mul3A_391 = vector.broadcast %reduce_sum3A_390 : f32 to vector<16xf32>
    %mul3A_392 = arith.mulf %mul3A_391, %broadcast_in_dim3A_2 : vector<16xf32>
    %add3A_393 = arith.addf %add3A_375, %mul3A_392 : vector<16xf32>
    %sub3A_394 = arith.subf %add3A_164, %add3A_386 : vector<16xf32>
    %add3A_395 = arith.addf %sub3A_394, %get3A_382 : vector<16xf32>
    %ge3A_396 = arith.cmpf oge, %add3A_395, %convert_element_type3A : vector<16xf32>
    %all_reduce_population_count3A_397 = tpu.all_reduce %ge3A_396 {dim = 0 : i64, kind = #tpu.reduction_kind<sum>} : vector<16xi1> -> vector<16xi32>
    %add3A_398 = arith.addi %add3A_380, %all_reduce_population_count3A_397 : vector<16xi32>
    %get3A_399 = arith.constant 4304 : index
    %get3A_400 = tpu.vector_load %arg7[%get3A_399] {strides = array<i32>} : memref<4352xf32, #tpu.memory_space<vmem>>, vector<16xf32>,
    %broadcast_in_dim3A_401 = arith.constant true
    %broadcast_in_dim3A_402 = vector.broadcast %broadcast_in_dim3A_401 : i1 to vector<16xi1>
    %masked_cumsum3A_403 = tpu.scan <sum>, %get3A_400 masked %broadcast_in_dim3A_402 : vector<16xf32>, vector<16xi1> -> vector<16xf32>
    %add3A_404 = arith.addf %masked_cumsum3A_403, %add3A_393 : vector<16xf32>
    %reduce_sum3A_405 = arith.constant true
    %reduce_sum3A_406 = vector.broadcast %reduce_sum3A_405 : i1 to vector<16xi1>
    %reduce_sum3A_407 = tpu.scan <sum>, %get3A_400 masked %reduce_sum3A_406 : vector<16xf32>, vector<16xi1> -> vector<16xf32>
    %reduce_sum3A_408 = vector.extract %reduce_sum3A_407[15] : f32 from vector<16xf32>
    %mul3A_409 = vector.broadcast %reduce_sum3A_408 : f32 to vector<16xf32>
    %mul3A_410 = arith.mulf %mul3A_409, %broadcast_in_dim3A_2 : vector<16xf32>
    %add3A_411 = arith.addf %add3A_393, %mul3A_410 : vector<16xf32>
    %sub3A_412 = arith.subf %add3A_164, %add3A_404 : vector<16xf32>
    %add3A_413 = arith.addf %sub3A_412, %get3A_400 : vector<16xf32>
    %ge3A_414 = arith.cmpf oge, %add3A_413, %convert_element_type3A : vector<16xf32>
    %all_reduce_population_count3A_415 = tpu.all_reduce %ge3A_414 {dim = 0 : i64, kind = #tpu.reduction_kind<sum>} : vector<16xi1> -> vector<16xi32>
    %add3A_416 = arith.addi %add3A_398, %all_reduce_population_count3A_415 : vector<16xi32>
    %get3A_417 = arith.constant 4320 : index
    %get3A_418 = tpu.vector_load %arg7[%get3A_417] {strides = array<i32>} : memref<4352xf32, #tpu.memory_space<vmem>>, vector<16xf32>,
    %broadcast_in_dim3A_419 = arith.constant true
    %broadcast_in_dim3A_420 = vector.broadcast %broadcast_in_dim3A_419 : i1 to vector<16xi1>
    %masked_cumsum3A_421 = tpu.scan <sum>, %get3A_418 masked %broadcast_in_dim3A_420 : vector<16xf32>, vector<16xi1> -> vector<16xf32>
    %add3A_422 = arith.addf %masked_cumsum3A_421, %add3A_411 : vector<16xf32>
    %reduce_sum3A_423 = arith.constant true
    %reduce_sum3A_424 = vector.broadcast %reduce_sum3A_423 : i1 to vector<16xi1>
    %reduce_sum3A_425 = tpu.scan <sum>, %get3A_418 masked %reduce_sum3A_424 : vector<16xf32>, vector<16xi1> -> vector<16xf32>
    %reduce_sum3A_426 = vector.extract %reduce_sum3A_425[15] : f32 from vector<16xf32>
    %mul3A_427 = vector.broadcast %reduce_sum3A_426 : f32 to vector<16xf32>
    %mul3A_428 = arith.mulf %mul3A_427, %broadcast_in_dim3A_2 : vector<16xf32>
    %add3A_429 = arith.addf %add3A_411, %mul3A_428 : vector<16xf32>
    %sub3A_430 = arith.subf %add3A_164, %add3A_422 : vector<16xf32>
    %add3A_431 = arith.addf %sub3A_430, %get3A_418 : vector<16xf32>
    %ge3A_432 = arith.cmpf oge, %add3A_431, %convert_element_type3A : vector<16xf32>
    %all_reduce_population_count3A_433 = tpu.all_reduce %ge3A_432 {dim = 0 : i64, kind = #tpu.reduction_kind<sum>} : vector<16xi1> -> vector<16xi32>
    %add3A_434 = arith.addi %add3A_416, %all_reduce_population_count3A_433 : vector<16xi32>
    %get3A_435 = arith.constant 4336 : index
    %get3A_436 = tpu.vector_load %arg7[%get3A_435] {strides = array<i32>} : memref<4352xf32, #tpu.memory_space<vmem>>, vector<16xf32>,
    %broadcast_in_dim3A_437 = arith.constant true
    %broadcast_in_dim3A_438 = vector.broadcast %broadcast_in_dim3A_437 : i1 to vector<16xi1>
    %masked_cumsum3A_439 = tpu.scan <sum>, %get3A_436 masked %broadcast_in_dim3A_438 : vector<16xf32>, vector<16xi1> -> vector<16xf32>
    %add3A_440 = arith.addf %masked_cumsum3A_439, %add3A_429 : vector<16xf32>
    %reduce_sum3A_441 = arith.constant true
    %reduce_sum3A_442 = vector.broadcast %reduce_sum3A_441 : i1 to vector<16xi1>
    %reduce_sum3A_443 = tpu.scan <sum>, %get3A_436 masked %reduce_sum3A_442 : vector<16xf32>, vector<16xi1> -> vector<16xf32>
    %reduce_sum3A_444 = vector.extract %reduce_sum3A_443[15] : f32 from vector<16xf32>
    %mul3A_445 = vector.broadcast %reduce_sum3A_444 : f32 to vector<16xf32>
    %mul3A_446 = arith.mulf %mul3A_445, %broadcast_in_dim3A_2 : vector<16xf32>
    %add3A_447 = arith.addf %add3A_429, %mul3A_446 : vector<16xf32>
    %sub3A_448 = arith.subf %add3A_164, %add3A_440 : vector<16xf32>
    %add3A_449 = arith.addf %sub3A_448, %get3A_436 : vector<16xf32>
    %ge3A_450 = arith.cmpf oge, %add3A_449, %convert_element_type3A : vector<16xf32>
    %all_reduce_population_count3A_451 = tpu.all_reduce %ge3A_450 {dim = 0 : i64, kind = #tpu.reduction_kind<sum>} : vector<16xi1> -> vector<16xi32>
    %add3A_452 = arith.addi %add3A_434, %all_reduce_population_count3A_451 : vector<16xi32>
    %sub3A_453 = arith.constant 1 : i32
    %sub3A_454 = vector.broadcast %sub3A_453 : i32 to vector<16xi32>
    %sub3A_455 = arith.subi %add3A_452, %sub3A_454 : vector<16xi32>
    %broadcast_in_dim3A_456 = arith.constant 0.000000e+00 : f32
    %broadcast_in_dim3A_457 = vector.broadcast %broadcast_in_dim3A_456 : f32 to vector<16xf32>
    %broadcast_in_dim3A_458 = arith.constant 0.000000e+00 : f32
    %broadcast_in_dim3A_459 = vector.broadcast %broadcast_in_dim3A_458 : f32 to vector<16xf32>
    %add3A_460 = arith.constant 0 : i32
    %add3A_461 = vector.broadcast %add3A_460 : i32 to vector<16xi32>
    %add3A_462 = arith.addi %add3A_461, %iota3A : vector<16xi32>
    %gt3A = arith.cmpi sgt, %add3A_462, %sub3A_455 : vector<16xi32>
    %get3A_463 = arith.constant 4096 : index
    %get3A_464 = tpu.vector_load %arg7[%get3A_463] {strides = array<i32>} : memref<4352xf32, #tpu.memory_space<vmem>>, vector<16xf32>,
    %jit3A = arith.constant 0.000000e+00 : f32
    %broadcast_in_dim3A_465 = vector.broadcast %jit3A : f32 to vector<16xf32>
    %select_n3A = arith.select %gt3A, %get3A_464, %broadcast_in_dim3A_465 : vector<16xi1>, vector<16xf32>
    %add3A_466 = arith.addf %broadcast_in_dim3A_457, %select_n3A : vector<16xf32>
    %get3A_467 = arith.constant 4096 : index
    %get3A_468 = tpu.vector_load %arg8[%get3A_467] {strides = array<i32>} : memref<4352xf32, #tpu.memory_space<vmem>>, vector<16xf32>,
    %jit3A_469 = arith.constant 0.000000e+00 : f32
    %broadcast_in_dim3A_470 = vector.broadcast %jit3A_469 : f32 to vector<16xf32>
    %select_n3A_471 = arith.select %gt3A, %get3A_468, %broadcast_in_dim3A_470 : vector<16xi1>, vector<16xf32>
    %add3A_472 = arith.addf %broadcast_in_dim3A_459, %select_n3A_471 : vector<16xf32>
    %add3A_473 = arith.constant 16 : i32
    %add3A_474 = vector.broadcast %add3A_473 : i32 to vector<16xi32>
    %add3A_475 = arith.addi %add3A_474, %iota3A : vector<16xi32>
    %gt3A_476 = arith.cmpi sgt, %add3A_475, %sub3A_455 : vector<16xi32>
    %get3A_477 = arith.constant 4112 : index
    %get3A_478 = tpu.vector_load %arg7[%get3A_477] {strides = array<i32>} : memref<4352xf32, #tpu.memory_space<vmem>>, vector<16xf32>,
    %jit3A_479 = arith.constant 0.000000e+00 : f32
    %broadcast_in_dim3A_480 = vector.broadcast %jit3A_479 : f32 to vector<16xf32>
    %select_n3A_481 = arith.select %gt3A_476, %get3A_478, %broadcast_in_dim3A_480 : vector<16xi1>, vector<16xf32>
    %add3A_482 = arith.addf %add3A_466, %select_n3A_481 : vector<16xf32>
    %get3A_483 = arith.constant 4112 : index
    %get3A_484 = tpu.vector_load %arg8[%get3A_483] {strides = array<i32>} : memref<4352xf32, #tpu.memory_space<vmem>>, vector<16xf32>,
    %jit3A_485 = arith.constant 0.000000e+00 : f32
    %broadcast_in_dim3A_486 = vector.broadcast %jit3A_485 : f32 to vector<16xf32>
    %select_n3A_487 = arith.select %gt3A_476, %get3A_484, %broadcast_in_dim3A_486 : vector<16xi1>, vector<16xf32>
    %add3A_488 = arith.addf %add3A_472, %select_n3A_487 : vector<16xf32>
    %add3A_489 = arith.constant 32 : i32
    %add3A_490 = vector.broadcast %add3A_489 : i32 to vector<16xi32>
    %add3A_491 = arith.addi %add3A_490, %iota3A : vector<16xi32>
    %gt3A_492 = arith.cmpi sgt, %add3A_491, %sub3A_455 : vector<16xi32>
    %get3A_493 = arith.constant 4128 : index
    %get3A_494 = tpu.vector_load %arg7[%get3A_493] {strides = array<i32>} : memref<4352xf32, #tpu.memory_space<vmem>>, vector<16xf32>,
    %jit3A_495 = arith.constant 0.000000e+00 : f32
    %broadcast_in_dim3A_496 = vector.broadcast %jit3A_495 : f32 to vector<16xf32>
    %select_n3A_497 = arith.select %gt3A_492, %get3A_494, %broadcast_in_dim3A_496 : vector<16xi1>, vector<16xf32>
    %add3A_498 = arith.addf %add3A_482, %select_n3A_497 : vector<16xf32>
    %get3A_499 = arith.constant 4128 : index
    %get3A_500 = tpu.vector_load %arg8[%get3A_499] {strides = array<i32>} : memref<4352xf32, #tpu.memory_space<vmem>>, vector<16xf32>,
    %jit3A_501 = arith.constant 0.000000e+00 : f32
    %broadcast_in_dim3A_502 = vector.broadcast %jit3A_501 : f32 to vector<16xf32>
    %select_n3A_503 = arith.select %gt3A_492, %get3A_500, %broadcast_in_dim3A_502 : vector<16xi1>, vector<16xf32>
    %add3A_504 = arith.addf %add3A_488, %select_n3A_503 : vector<16xf32>
    %add3A_505 = arith.constant 48 : i32
    %add3A_506 = vector.broadcast %add3A_505 : i32 to vector<16xi32>
    %add3A_507 = arith.addi %add3A_506, %iota3A : vector<16xi32>
    %gt3A_508 = arith.cmpi sgt, %add3A_507, %sub3A_455 : vector<16xi32>
    %get3A_509 = arith.constant 4144 : index
    %get3A_510 = tpu.vector_load %arg7[%get3A_509] {strides = array<i32>} : memref<4352xf32, #tpu.memory_space<vmem>>, vector<16xf32>,
    %jit3A_511 = arith.constant 0.000000e+00 : f32
    %broadcast_in_dim3A_512 = vector.broadcast %jit3A_511 : f32 to vector<16xf32>
    %select_n3A_513 = arith.select %gt3A_508, %get3A_510, %broadcast_in_dim3A_512 : vector<16xi1>, vector<16xf32>
    %add3A_514 = arith.addf %add3A_498, %select_n3A_513 : vector<16xf32>
    %get3A_515 = arith.constant 4144 : index
    %get3A_516 = tpu.vector_load %arg8[%get3A_515] {strides = array<i32>} : memref<4352xf32, #tpu.memory_space<vmem>>, vector<16xf32>,
    %jit3A_517 = arith.constant 0.000000e+00 : f32
    %broadcast_in_dim3A_518 = vector.broadcast %jit3A_517 : f32 to vector<16xf32>
    %select_n3A_519 = arith.select %gt3A_508, %get3A_516, %broadcast_in_dim3A_518 : vector<16xi1>, vector<16xf32>
    %add3A_520 = arith.addf %add3A_504, %select_n3A_519 : vector<16xf32>
    %add3A_521 = arith.constant 64 : i32
    %add3A_522 = vector.broadcast %add3A_521 : i32 to vector<16xi32>
    %add3A_523 = arith.addi %add3A_522, %iota3A : vector<16xi32>
    %gt3A_524 = arith.cmpi sgt, %add3A_523, %sub3A_455 : vector<16xi32>
    %get3A_525 = arith.constant 4160 : index
    %get3A_526 = tpu.vector_load %arg7[%get3A_525] {strides = array<i32>} : memref<4352xf32, #tpu.memory_space<vmem>>, vector<16xf32>,
    %jit3A_527 = arith.constant 0.000000e+00 : f32
    %broadcast_in_dim3A_528 = vector.broadcast %jit3A_527 : f32 to vector<16xf32>
    %select_n3A_529 = arith.select %gt3A_524, %get3A_526, %broadcast_in_dim3A_528 : vector<16xi1>, vector<16xf32>
    %add3A_530 = arith.addf %add3A_514, %select_n3A_529 : vector<16xf32>
    %get3A_531 = arith.constant 4160 : index
    %get3A_532 = tpu.vector_load %arg8[%get3A_531] {strides = array<i32>} : memref<4352xf32, #tpu.memory_space<vmem>>, vector<16xf32>,
    %jit3A_533 = arith.constant 0.000000e+00 : f32
    %broadcast_in_dim3A_534 = vector.broadcast %jit3A_533 : f32 to vector<16xf32>
    %select_n3A_535 = arith.select %gt3A_524, %get3A_532, %broadcast_in_dim3A_534 : vector<16xi1>, vector<16xf32>
    %add3A_536 = arith.addf %add3A_520, %select_n3A_535 : vector<16xf32>
    %add3A_537 = arith.constant 80 : i32
    %add3A_538 = vector.broadcast %add3A_537 : i32 to vector<16xi32>
    %add3A_539 = arith.addi %add3A_538, %iota3A : vector<16xi32>
    %gt3A_540 = arith.cmpi sgt, %add3A_539, %sub3A_455 : vector<16xi32>
    %get3A_541 = arith.constant 4176 : index
    %get3A_542 = tpu.vector_load %arg7[%get3A_541] {strides = array<i32>} : memref<4352xf32, #tpu.memory_space<vmem>>, vector<16xf32>,
    %jit3A_543 = arith.constant 0.000000e+00 : f32
    %broadcast_in_dim3A_544 = vector.broadcast %jit3A_543 : f32 to vector<16xf32>
    %select_n3A_545 = arith.select %gt3A_540, %get3A_542, %broadcast_in_dim3A_544 : vector<16xi1>, vector<16xf32>
    %add3A_546 = arith.addf %add3A_530, %select_n3A_545 : vector<16xf32>
    %get3A_547 = arith.constant 4176 : index
    %get3A_548 = tpu.vector_load %arg8[%get3A_547] {strides = array<i32>} : memref<4352xf32, #tpu.memory_space<vmem>>, vector<16xf32>,
    %jit3A_549 = arith.constant 0.000000e+00 : f32
    %broadcast_in_dim3A_550 = vector.broadcast %jit3A_549 : f32 to vector<16xf32>
    %select_n3A_551 = arith.select %gt3A_540, %get3A_548, %broadcast_in_dim3A_550 : vector<16xi1>, vector<16xf32>
    %add3A_552 = arith.addf %add3A_536, %select_n3A_551 : vector<16xf32>
    %add3A_553 = arith.constant 96 : i32
    %add3A_554 = vector.broadcast %add3A_553 : i32 to vector<16xi32>
    %add3A_555 = arith.addi %add3A_554, %iota3A : vector<16xi32>
    %gt3A_556 = arith.cmpi sgt, %add3A_555, %sub3A_455 : vector<16xi32>
    %get3A_557 = arith.constant 4192 : index
    %get3A_558 = tpu.vector_load %arg7[%get3A_557] {strides = array<i32>} : memref<4352xf32, #tpu.memory_space<vmem>>, vector<16xf32>,
    %jit3A_559 = arith.constant 0.000000e+00 : f32
    %broadcast_in_dim3A_560 = vector.broadcast %jit3A_559 : f32 to vector<16xf32>
    %select_n3A_561 = arith.select %gt3A_556, %get3A_558, %broadcast_in_dim3A_560 : vector<16xi1>, vector<16xf32>
    %add3A_562 = arith.addf %add3A_546, %select_n3A_561 : vector<16xf32>
    %get3A_563 = arith.constant 4192 : index
    %get3A_564 = tpu.vector_load %arg8[%get3A_563] {strides = array<i32>} : memref<4352xf32, #tpu.memory_space<vmem>>, vector<16xf32>,
    %jit3A_565 = arith.constant 0.000000e+00 : f32
    %broadcast_in_dim3A_566 = vector.broadcast %jit3A_565 : f32 to vector<16xf32>
    %select_n3A_567 = arith.select %gt3A_556, %get3A_564, %broadcast_in_dim3A_566 : vector<16xi1>, vector<16xf32>
    %add3A_568 = arith.addf %add3A_552, %select_n3A_567 : vector<16xf32>
    %add3A_569 = arith.constant 112 : i32
    %add3A_570 = vector.broadcast %add3A_569 : i32 to vector<16xi32>
    %add3A_571 = arith.addi %add3A_570, %iota3A : vector<16xi32>
    %gt3A_572 = arith.cmpi sgt, %add3A_571, %sub3A_455 : vector<16xi32>
    %get3A_573 = arith.constant 4208 : index
    %get3A_574 = tpu.vector_load %arg7[%get3A_573] {strides = array<i32>} : memref<4352xf32, #tpu.memory_space<vmem>>, vector<16xf32>,
    %jit3A_575 = arith.constant 0.000000e+00 : f32
    %broadcast_in_dim3A_576 = vector.broadcast %jit3A_575 : f32 to vector<16xf32>
    %select_n3A_577 = arith.select %gt3A_572, %get3A_574, %broadcast_in_dim3A_576 : vector<16xi1>, vector<16xf32>
    %add3A_578 = arith.addf %add3A_562, %select_n3A_577 : vector<16xf32>
    %get3A_579 = arith.constant 4208 : index
    %get3A_580 = tpu.vector_load %arg8[%get3A_579] {strides = array<i32>} : memref<4352xf32, #tpu.memory_space<vmem>>, vector<16xf32>,
    %jit3A_581 = arith.constant 0.000000e+00 : f32
    %broadcast_in_dim3A_582 = vector.broadcast %jit3A_581 : f32 to vector<16xf32>
    %select_n3A_583 = arith.select %gt3A_572, %get3A_580, %broadcast_in_dim3A_582 : vector<16xi1>, vector<16xf32>
    %add3A_584 = arith.addf %add3A_568, %select_n3A_583 : vector<16xf32>
    %add3A_585 = arith.constant 128 : i32
    %add3A_586 = vector.broadcast %add3A_585 : i32 to vector<16xi32>
    %add3A_587 = arith.addi %add3A_586, %iota3A : vector<16xi32>
    %gt3A_588 = arith.cmpi sgt, %add3A_587, %sub3A_455 : vector<16xi32>
    %get3A_589 = arith.constant 4224 : index
    %get3A_590 = tpu.vector_load %arg7[%get3A_589] {strides = array<i32>} : memref<4352xf32, #tpu.memory_space<vmem>>, vector<16xf32>,
    %jit3A_591 = arith.constant 0.000000e+00 : f32
    %broadcast_in_dim3A_592 = vector.broadcast %jit3A_591 : f32 to vector<16xf32>
    %select_n3A_593 = arith.select %gt3A_588, %get3A_590, %broadcast_in_dim3A_592 : vector<16xi1>, vector<16xf32>
    %add3A_594 = arith.addf %add3A_578, %select_n3A_593 : vector<16xf32>
    %get3A_595 = arith.constant 4224 : index
    %get3A_596 = tpu.vector_load %arg8[%get3A_595] {strides = array<i32>} : memref<4352xf32, #tpu.memory_space<vmem>>, vector<16xf32>,
    %jit3A_597 = arith.constant 0.000000e+00 : f32
    %broadcast_in_dim3A_598 = vector.broadcast %jit3A_597 : f32 to vector<16xf32>
    %select_n3A_599 = arith.select %gt3A_588, %get3A_596, %broadcast_in_dim3A_598 : vector<16xi1>, vector<16xf32>
    %add3A_600 = arith.addf %add3A_584, %select_n3A_599 : vector<16xf32>
    %add3A_601 = arith.constant 144 : i32
    %add3A_602 = vector.broadcast %add3A_601 : i32 to vector<16xi32>
    %add3A_603 = arith.addi %add3A_602, %iota3A : vector<16xi32>
    %gt3A_604 = arith.cmpi sgt, %add3A_603, %sub3A_455 : vector<16xi32>
    %get3A_605 = arith.constant 4240 : index
    %get3A_606 = tpu.vector_load %arg7[%get3A_605] {strides = array<i32>} : memref<4352xf32, #tpu.memory_space<vmem>>, vector<16xf32>,
    %jit3A_607 = arith.constant 0.000000e+00 : f32
    %broadcast_in_dim3A_608 = vector.broadcast %jit3A_607 : f32 to vector<16xf32>
    %select_n3A_609 = arith.select %gt3A_604, %get3A_606, %broadcast_in_dim3A_608 : vector<16xi1>, vector<16xf32>
    %add3A_610 = arith.addf %add3A_594, %select_n3A_609 : vector<16xf32>
    %get3A_611 = arith.constant 4240 : index
    %get3A_612 = tpu.vector_load %arg8[%get3A_611] {strides = array<i32>} : memref<4352xf32, #tpu.memory_space<vmem>>, vector<16xf32>,
    %jit3A_613 = arith.constant 0.000000e+00 : f32
    %broadcast_in_dim3A_614 = vector.broadcast %jit3A_613 : f32 to vector<16xf32>
    %select_n3A_615 = arith.select %gt3A_604, %get3A_612, %broadcast_in_dim3A_614 : vector<16xi1>, vector<16xf32>
    %add3A_616 = arith.addf %add3A_600, %select_n3A_615 : vector<16xf32>
    %add3A_617 = arith.constant 160 : i32
    %add3A_618 = vector.broadcast %add3A_617 : i32 to vector<16xi32>
    %add3A_619 = arith.addi %add3A_618, %iota3A : vector<16xi32>
    %gt3A_620 = arith.cmpi sgt, %add3A_619, %sub3A_455 : vector<16xi32>
    %get3A_621 = arith.constant 4256 : index
    %get3A_622 = tpu.vector_load %arg7[%get3A_621] {strides = array<i32>} : memref<4352xf32, #tpu.memory_space<vmem>>, vector<16xf32>,
    %jit3A_623 = arith.constant 0.000000e+00 : f32
    %broadcast_in_dim3A_624 = vector.broadcast %jit3A_623 : f32 to vector<16xf32>
    %select_n3A_625 = arith.select %gt3A_620, %get3A_622, %broadcast_in_dim3A_624 : vector<16xi1>, vector<16xf32>
    %add3A_626 = arith.addf %add3A_610, %select_n3A_625 : vector<16xf32>
    %get3A_627 = arith.constant 4256 : index
    %get3A_628 = tpu.vector_load %arg8[%get3A_627] {strides = array<i32>} : memref<4352xf32, #tpu.memory_space<vmem>>, vector<16xf32>,
    %jit3A_629 = arith.constant 0.000000e+00 : f32
    %broadcast_in_dim3A_630 = vector.broadcast %jit3A_629 : f32 to vector<16xf32>
    %select_n3A_631 = arith.select %gt3A_620, %get3A_628, %broadcast_in_dim3A_630 : vector<16xi1>, vector<16xf32>
    %add3A_632 = arith.addf %add3A_616, %select_n3A_631 : vector<16xf32>
    %add3A_633 = arith.constant 176 : i32
    %add3A_634 = vector.broadcast %add3A_633 : i32 to vector<16xi32>
    %add3A_635 = arith.addi %add3A_634, %iota3A : vector<16xi32>
    %gt3A_636 = arith.cmpi sgt, %add3A_635, %sub3A_455 : vector<16xi32>
    %get3A_637 = arith.constant 4272 : index
    %get3A_638 = tpu.vector_load %arg7[%get3A_637] {strides = array<i32>} : memref<4352xf32, #tpu.memory_space<vmem>>, vector<16xf32>,
    %jit3A_639 = arith.constant 0.000000e+00 : f32
    %broadcast_in_dim3A_640 = vector.broadcast %jit3A_639 : f32 to vector<16xf32>
    %select_n3A_641 = arith.select %gt3A_636, %get3A_638, %broadcast_in_dim3A_640 : vector<16xi1>, vector<16xf32>
    %add3A_642 = arith.addf %add3A_626, %select_n3A_641 : vector<16xf32>
    %get3A_643 = arith.constant 4272 : index
    %get3A_644 = tpu.vector_load %arg8[%get3A_643] {strides = array<i32>} : memref<4352xf32, #tpu.memory_space<vmem>>, vector<16xf32>,
    %jit3A_645 = arith.constant 0.000000e+00 : f32
    %broadcast_in_dim3A_646 = vector.broadcast %jit3A_645 : f32 to vector<16xf32>
    %select_n3A_647 = arith.select %gt3A_636, %get3A_644, %broadcast_in_dim3A_646 : vector<16xi1>, vector<16xf32>
    %add3A_648 = arith.addf %add3A_632, %select_n3A_647 : vector<16xf32>
    %add3A_649 = arith.constant 192 : i32
    %add3A_650 = vector.broadcast %add3A_649 : i32 to vector<16xi32>
    %add3A_651 = arith.addi %add3A_650, %iota3A : vector<16xi32>
    %gt3A_652 = arith.cmpi sgt, %add3A_651, %sub3A_455 : vector<16xi32>
    %get3A_653 = arith.constant 4288 : index
    %get3A_654 = tpu.vector_load %arg7[%get3A_653] {strides = array<i32>} : memref<4352xf32, #tpu.memory_space<vmem>>, vector<16xf32>,
    %jit3A_655 = arith.constant 0.000000e+00 : f32
    %broadcast_in_dim3A_656 = vector.broadcast %jit3A_655 : f32 to vector<16xf32>
    %select_n3A_657 = arith.select %gt3A_652, %get3A_654, %broadcast_in_dim3A_656 : vector<16xi1>, vector<16xf32>
    %add3A_658 = arith.addf %add3A_642, %select_n3A_657 : vector<16xf32>
    %get3A_659 = arith.constant 4288 : index
    %get3A_660 = tpu.vector_load %arg8[%get3A_659] {strides = array<i32>} : memref<4352xf32, #tpu.memory_space<vmem>>, vector<16xf32>,
    %jit3A_661 = arith.constant 0.000000e+00 : f32
    %broadcast_in_dim3A_662 = vector.broadcast %jit3A_661 : f32 to vector<16xf32>
    %select_n3A_663 = arith.select %gt3A_652, %get3A_660, %broadcast_in_dim3A_662 : vector<16xi1>, vector<16xf32>
    %add3A_664 = arith.addf %add3A_648, %select_n3A_663 : vector<16xf32>
    %add3A_665 = arith.constant 208 : i32
    %add3A_666 = vector.broadcast %add3A_665 : i32 to vector<16xi32>
    %add3A_667 = arith.addi %add3A_666, %iota3A : vector<16xi32>
    %gt3A_668 = arith.cmpi sgt, %add3A_667, %sub3A_455 : vector<16xi32>
    %get3A_669 = arith.constant 4304 : index
    %get3A_670 = tpu.vector_load %arg7[%get3A_669] {strides = array<i32>} : memref<4352xf32, #tpu.memory_space<vmem>>, vector<16xf32>,
    %jit3A_671 = arith.constant 0.000000e+00 : f32
    %broadcast_in_dim3A_672 = vector.broadcast %jit3A_671 : f32 to vector<16xf32>
    %select_n3A_673 = arith.select %gt3A_668, %get3A_670, %broadcast_in_dim3A_672 : vector<16xi1>, vector<16xf32>
    %add3A_674 = arith.addf %add3A_658, %select_n3A_673 : vector<16xf32>
    %get3A_675 = arith.constant 4304 : index
    %get3A_676 = tpu.vector_load %arg8[%get3A_675] {strides = array<i32>} : memref<4352xf32, #tpu.memory_space<vmem>>, vector<16xf32>,
    %jit3A_677 = arith.constant 0.000000e+00 : f32
    %broadcast_in_dim3A_678 = vector.broadcast %jit3A_677 : f32 to vector<16xf32>
    %select_n3A_679 = arith.select %gt3A_668, %get3A_676, %broadcast_in_dim3A_678 : vector<16xi1>, vector<16xf32>
    %add3A_680 = arith.addf %add3A_664, %select_n3A_679 : vector<16xf32>
    %add3A_681 = arith.constant 224 : i32
    %add3A_682 = vector.broadcast %add3A_681 : i32 to vector<16xi32>
    %add3A_683 = arith.addi %add3A_682, %iota3A : vector<16xi32>
    %gt3A_684 = arith.cmpi sgt, %add3A_683, %sub3A_455 : vector<16xi32>
    %get3A_685 = arith.constant 4320 : index
    %get3A_686 = tpu.vector_load %arg7[%get3A_685] {strides = array<i32>} : memref<4352xf32, #tpu.memory_space<vmem>>, vector<16xf32>,
    %jit3A_687 = arith.constant 0.000000e+00 : f32
    %broadcast_in_dim3A_688 = vector.broadcast %jit3A_687 : f32 to vector<16xf32>
    %select_n3A_689 = arith.select %gt3A_684, %get3A_686, %broadcast_in_dim3A_688 : vector<16xi1>, vector<16xf32>
    %add3A_690 = arith.addf %add3A_674, %select_n3A_689 : vector<16xf32>
    %get3A_691 = arith.constant 4320 : index
    %get3A_692 = tpu.vector_load %arg8[%get3A_691] {strides = array<i32>} : memref<4352xf32, #tpu.memory_space<vmem>>, vector<16xf32>,
    %jit3A_693 = arith.constant 0.000000e+00 : f32
    %broadcast_in_dim3A_694 = vector.broadcast %jit3A_693 : f32 to vector<16xf32>
    %select_n3A_695 = arith.select %gt3A_684, %get3A_692, %broadcast_in_dim3A_694 : vector<16xi1>, vector<16xf32>
    %add3A_696 = arith.addf %add3A_680, %select_n3A_695 : vector<16xf32>
    %add3A_697 = arith.constant 240 : i32
    %add3A_698 = vector.broadcast %add3A_697 : i32 to vector<16xi32>
    %add3A_699 = arith.addi %add3A_698, %iota3A : vector<16xi32>
    %gt3A_700 = arith.cmpi sgt, %add3A_699, %sub3A_455 : vector<16xi32>
    %get3A_701 = arith.constant 4336 : index
    %get3A_702 = tpu.vector_load %arg7[%get3A_701] {strides = array<i32>} : memref<4352xf32, #tpu.memory_space<vmem>>, vector<16xf32>,
    %jit3A_703 = arith.constant 0.000000e+00 : f32
    %broadcast_in_dim3A_704 = vector.broadcast %jit3A_703 : f32 to vector<16xf32>
    %select_n3A_705 = arith.select %gt3A_700, %get3A_702, %broadcast_in_dim3A_704 : vector<16xi1>, vector<16xf32>
    %add3A_706 = arith.addf %add3A_690, %select_n3A_705 : vector<16xf32>
    %get3A_707 = arith.constant 4336 : index
    %get3A_708 = tpu.vector_load %arg8[%get3A_707] {strides = array<i32>} : memref<4352xf32, #tpu.memory_space<vmem>>, vector<16xf32>,
    %jit3A_709 = arith.constant 0.000000e+00 : f32
    %broadcast_in_dim3A_710 = vector.broadcast %jit3A_709 : f32 to vector<16xf32>
    %select_n3A_711 = arith.select %gt3A_700, %get3A_708, %broadcast_in_dim3A_710 : vector<16xi1>, vector<16xf32>
    %add3A_712 = arith.addf %add3A_696, %select_n3A_711 : vector<16xf32>
    %reduce_sum3A_713 = arith.constant true
    %reduce_sum3A_714 = vector.broadcast %reduce_sum3A_713 : i1 to vector<16xi1>
    %reduce_sum3A_715 = tpu.scan <sum>, %add3A_706 masked %reduce_sum3A_714 : vector<16xf32>, vector<16xi1> -> vector<16xf32>
    %reduce_sum3A_716 = vector.extract %reduce_sum3A_715[15] : f32 from vector<16xf32>
    %mul3A_717 = vector.broadcast %reduce_sum3A_716 : f32 to vector<16xf32>
    %mul3A_718 = arith.mulf %mul3A_717, %broadcast_in_dim3A_2 : vector<16xf32>
    %reduce_sum3A_719 = arith.constant true
    %reduce_sum3A_720 = vector.broadcast %reduce_sum3A_719 : i1 to vector<16xi1>
    %reduce_sum3A_721 = tpu.scan <sum>, %add3A_712 masked %reduce_sum3A_720 : vector<16xf32>, vector<16xi1> -> vector<16xf32>
    %reduce_sum3A_722 = vector.extract %reduce_sum3A_721[15] : f32 from vector<16xf32>
    %mul3A_723 = vector.broadcast %reduce_sum3A_722 : f32 to vector<16xf32>
    %mul3A_724 = arith.mulf %mul3A_723, %broadcast_in_dim3A_2 : vector<16xf32>
    %broadcast_in_dim3A_725 = arith.constant 0 : i32
    %broadcast_in_dim3A_726 = vector.broadcast %broadcast_in_dim3A_725 : i32 to vector<16xi32>
    %scan3A_727 = arith.constant 0 : i32
    %scan3A_728 = arith.constant 1536 : i32
    %scan3A_729 = arith.addi %scan3A_727, %scan3A_728 : i32
    %scan3A_730 = arith.constant 1 : i32
    %scan3A_731 = scf.for %scan3A_803 = %scan3A_727 to %scan3A_729 step %scan3A_730 iter_args(%scan3A_804 = %broadcast_in_dim3A_726) -> (vector<16xi32>)  : i32 {
      %mul3A_805 = arith.constant 16 : i32
      %mul3A_806 = arith.muli %scan3A_803, %mul3A_805 : i32
      %get3A_807 = arith.index_cast %mul3A_806 : i32 to index
      %get3A_808 = tpu.vector_load %arg5[%get3A_807] {strides = array<i32>} : memref<24576xf32, #tpu.memory_space<vmem>>, vector<16xf32>,
      %bitcast_convert_type3A_809 = tpu.bitcast %get3A_808 : vector<16xf32> -> vector<16xi32>
      %shift_right_arithmetic3A = arith.constant 23 : i32
      %shift_right_arithmetic3A_810 = vector.broadcast %shift_right_arithmetic3A : i32 to vector<16xi32>
      %shift_right_arithmetic3A_811 = arith.shrsi %bitcast_convert_type3A_809, %shift_right_arithmetic3A_810 : vector<16xi32>
      %eq3A = arith.cmpi eq, %shift_right_arithmetic3A_811, %sub3A_455 : vector<16xi32>
      %gt3A_812 = arith.constant 0 : i32
      %gt3A_813 = vector.broadcast %gt3A_812 : i32 to vector<16xi32>
      %gt3A_814 = arith.cmpi sgt, %sub3A_455, %gt3A_813 : vector<16xi32>
      %and3A_815 = arith.andi %eq3A, %gt3A_814 : vector<16xi1>
      %convert_element_type3A_816 = arith.extui %and3A_815 : vector<16xi1> to vector<16xi32>
      %broadcast_in_dim3A_817 = arith.constant true
      %broadcast_in_dim3A_818 = vector.broadcast %broadcast_in_dim3A_817 : i1 to vector<16xi1>
      %masked_cumsum3A_819 = tpu.scan <sum>, %convert_element_type3A_816 masked %broadcast_in_dim3A_818 : vector<16xi32>, vector<16xi1> -> vector<16xi32>
      %sub3A_820 = arith.subi %masked_cumsum3A_819, %convert_element_type3A_816 : vector<16xi32>
      %add3A_821 = arith.addi %sub3A_820, %scan3A_804 : vector<16xi32>
      tpu.vector_store_idx %arg6[%add3A_821], %get3A_808 masked %and3A_815 : memref<24576xf32, #tpu.memory_space<vmem>>[vector<16xi32>], vector<16xf32>, vector<16xi1>
      %all_reduce_population_count3A_822 = tpu.all_reduce %and3A_815 {dim = 0 : i64, kind = #tpu.reduction_kind<sum>} : vector<16xi1> -> vector<16xi32>
      %add3A_823 = arith.addi %scan3A_804, %all_reduce_population_count3A_822 : vector<16xi32>
      scf.yield %add3A_823 : vector<16xi32>
    }
    %scan3A_732 = arith.constant 1536 : i32
    %reduce_max3A = arith.constant true
    %reduce_max3A_733 = vector.broadcast %reduce_max3A : i1 to vector<16xi1>
    %reduce_max3A_734 = arith.constant -2147483648 : i32
    %reduce_max3A_735 = vector.broadcast %reduce_max3A_734 : i32 to vector<16xi32>
    %reduce_max3A_736 = arith.xori %scan3A_731, %reduce_max3A_735 : vector<16xi32>
    %reduce_max3A_737 = tpu.scan <max>, %reduce_max3A_736 masked %reduce_max3A_733 : vector<16xi32>, vector<16xi1> -> vector<16xi32>
    %reduce_max3A_738 = arith.xori %reduce_max3A_737, %reduce_max3A_735 : vector<16xi32>
    %reduce_max3A_739 = vector.extract %reduce_max3A_738[15] : i32 from vector<16xi32>
    %add3A_740 = arith.constant 15 : i32
    %add3A_741 = arith.addi %reduce_max3A_739, %add3A_740 : i32
    %jit3A_742 = arith.constant 16 : i32
    %div3A = arith.divsi %add3A_741, %jit3A_742 : i32
    %sign3A = arith.constant 0 : i32
    %sign3A_743 = arith.cmpi sgt, %add3A_741, %sign3A : i32
    %sign3A_744 = arith.extui %sign3A_743 : i1 to i32
    %sign3A_745 = arith.constant 0 : i32
    %sign3A_746 = arith.cmpi slt, %add3A_741, %sign3A_745 : i32
    %sign3A_747 = arith.extui %sign3A_746 : i1 to i32
    %sign3A_748 = arith.subi %sign3A_744, %sign3A_747 : i32
    %sign3A_749 = arith.constant 0 : i32
    %sign3A_750 = arith.cmpi sgt, %jit3A_742, %sign3A_749 : i32
    %sign3A_751 = arith.extui %sign3A_750 : i1 to i32
    %sign3A_752 = arith.constant 0 : i32
    %sign3A_753 = arith.cmpi slt, %jit3A_742, %sign3A_752 : i32
    %sign3A_754 = arith.extui %sign3A_753 : i1 to i32
    %sign3A_755 = arith.subi %sign3A_751, %sign3A_754 : i32
    %ne3A = arith.cmpi ne, %sign3A_748, %sign3A_755 : i32
    %rem3A = arith.remsi %add3A_741, %jit3A_742 : i32
    %ne3A_756 = arith.constant 0 : i32
    %ne3A_757 = arith.cmpi ne, %rem3A, %ne3A_756 : i32
    %and3A = arith.andi %ne3A, %ne3A_757 : i1
    %sub3A_758 = arith.constant 1 : i32
    %sub3A_759 = arith.subi %div3A, %sub3A_758 : i32
    %select_n3A_760 = arith.select %and3A, %sub3A_759, %div3A : i32
    %convert_element_type3A_761 = arith.fptosi %mul3A_718 : vector<16xf32> to vector<16xi32>
    %sub3A_762 = arith.subi %get3A_1, %convert_element_type3A_761 : vector<16xi32>
    %gt3A_763 = arith.constant 0 : i32
    %gt3A_764 = vector.broadcast %gt3A_763 : i32 to vector<16xi32>
    %gt3A_765 = arith.cmpi sgt, %sub3A_455, %gt3A_764 : vector<16xi32>
    %jit3A_766 = arith.constant 0 : i32
    %broadcast_in_dim3A_767 = vector.broadcast %jit3A_766 : i32 to vector<16xi32>
    %select_n3A_768 = arith.select %gt3A_765, %sub3A_455, %broadcast_in_dim3A_767 : vector<16xi1>, vector<16xi32>
    %shift_left3A = arith.constant 23 : i32
    %shift_left3A_769 = vector.broadcast %shift_left3A : i32 to vector<16xi32>
    %shift_left3A_770 = arith.shli %select_n3A_768, %shift_left3A_769 : vector<16xi32>
    %broadcast_in_dim3A_771 = arith.constant 0 : i32
    %broadcast_in_dim3A_772 = vector.broadcast %broadcast_in_dim3A_771 : i32 to vector<16xi32>
    %scan3A_773 = arith.constant 0 : i32
    %scan3A_774 = arith.constant 23 : i32
    %scan3A_775 = arith.addi %scan3A_773, %scan3A_774 : i32
    %scan3A_776 = arith.constant 1 : i32
    %scan3A_777 = scf.for %scan3A_803 = %scan3A_773 to %scan3A_775 step %scan3A_776 iter_args(%scan3A_804 = %broadcast_in_dim3A_772) -> (vector<16xi32>)  : i32 {
      %broadcast_in_dim3A_805 = arith.constant 1 : i32
      %broadcast_in_dim3A_806 = vector.broadcast %broadcast_in_dim3A_805 : i32 to vector<16xi32>
      %sub3A_807 = arith.constant 22 : i32
      %sub3A_808 = arith.subi %sub3A_807, %scan3A_803 : i32
      %shift_left3A_809 = vector.broadcast %sub3A_808 : i32 to vector<16xi32>
      %shift_left3A_810 = arith.shli %broadcast_in_dim3A_806, %shift_left3A_809 : vector<16xi32>
      %or3A_811 = arith.ori %shift_left3A_770, %scan3A_804 : vector<16xi32>
      %or3A_812 = arith.ori %or3A_811, %shift_left3A_810 : vector<16xi32>
      %broadcast_in_dim3A_813 = arith.constant 0 : i32
      %broadcast_in_dim3A_814 = vector.broadcast %broadcast_in_dim3A_813 : i32 to vector<16xi32>
      %while3A_815 = arith.constant 0 : i32
      %while3A_816 = arith.subi %select_n3A_760, %while3A_815 : i32
      %while3A_817 = arith.addi %while3A_815, %while3A_816 : i32
      %while3A_818 = arith.constant 1 : i32
      %while3A_819 = arith.divsi %while3A_816, %while3A_818 : i32
      %while3A_820 = arith.muli %while3A_819, %while3A_818 : i32
      %while3A_821 = arith.addi %while3A_815, %while3A_820 : i32
      %while3A_822 = arith.constant 1 : i32
      %while3A_823 = scf.for %while3A_829 = %while3A_815 to %while3A_821 step %while3A_822 iter_args(%while3A_830 = %broadcast_in_dim3A_814) -> (vector<16xi32>)  : i32 {
        %mul3A_831 = arith.constant 16 : i32
        %mul3A_832 = arith.muli %while3A_829, %mul3A_831 : i32
        %get3A_833 = arith.index_cast %mul3A_832 : i32 to index
        %get3A_834 = tpu.vector_load %arg6[%get3A_833] {strides = array<i32>} : memref<24576xf32, #tpu.memory_space<vmem>>, vector<16xf32>,
        %bitcast_convert_type3A_835 = tpu.bitcast %get3A_834 : vector<16xf32> -> vector<16xi32>
        %mul3A_836 = arith.constant 16 : i32
        %mul3A_837 = arith.muli %while3A_829, %mul3A_836 : i32
        %add3A_838 = vector.broadcast %mul3A_837 : i32 to vector<16xi32>
        %add3A_839 = arith.addi %add3A_838, %iota3A : vector<16xi32>
        %lt3A = arith.cmpi slt, %add3A_839, %scan3A_731 : vector<16xi32>
        %ge3A_840 = arith.cmpi sge, %bitcast_convert_type3A_835, %or3A_812 : vector<16xi32>
        %and3A_841 = arith.andi %ge3A_840, %lt3A : vector<16xi1>
        %all_reduce_population_count3A_842 = tpu.all_reduce %and3A_841 {dim = 0 : i64, kind = #tpu.reduction_kind<sum>} : vector<16xi1> -> vector<16xi32>
        %add3A_843 = arith.addi %while3A_830, %all_reduce_population_count3A_842 : vector<16xi32>
        scf.yield %add3A_843 : vector<16xi32>
      }
      %while3A_824 = arith.constant 1 : i32
      %while3A_825 = scf.for %while3A_829 = %while3A_821 to %while3A_817 step %while3A_824 iter_args(%while3A_830 = %while3A_823) -> (vector<16xi32>)  : i32 {
        %mul3A_831 = arith.constant 16 : i32
        %mul3A_832 = arith.muli %while3A_829, %mul3A_831 : i32
        %get3A_833 = arith.index_cast %mul3A_832 : i32 to index
        %get3A_834 = tpu.vector_load %arg6[%get3A_833] {strides = array<i32>} : memref<24576xf32, #tpu.memory_space<vmem>>, vector<16xf32>,
        %bitcast_convert_type3A_835 = tpu.bitcast %get3A_834 : vector<16xf32> -> vector<16xi32>
        %mul3A_836 = arith.constant 16 : i32
        %mul3A_837 = arith.muli %while3A_829, %mul3A_836 : i32
        %add3A_838 = vector.broadcast %mul3A_837 : i32 to vector<16xi32>
        %add3A_839 = arith.addi %add3A_838, %iota3A : vector<16xi32>
        %lt3A = arith.cmpi slt, %add3A_839, %scan3A_731 : vector<16xi32>
        %ge3A_840 = arith.cmpi sge, %bitcast_convert_type3A_835, %or3A_812 : vector<16xi32>
        %and3A_841 = arith.andi %ge3A_840, %lt3A : vector<16xi1>
        %all_reduce_population_count3A_842 = tpu.all_reduce %and3A_841 {dim = 0 : i64, kind = #tpu.reduction_kind<sum>} : vector<16xi1> -> vector<16xi32>
        %add3A_843 = arith.addi %while3A_830, %all_reduce_population_count3A_842 : vector<16xi32>
        scf.yield %add3A_843 : vector<16xi32>
      }
      %ge3A_826 = arith.cmpi sge, %while3A_825, %sub3A_762 : vector<16xi32>
      %or3A_827 = arith.ori %scan3A_804, %shift_left3A_810 : vector<16xi32>
      %select_n3A_828 = arith.select %ge3A_826, %or3A_827, %scan3A_804 : vector<16xi1>, vector<16xi32>
      scf.yield %select_n3A_828 : vector<16xi32>
    }
    %scan3A_778 = arith.constant 23 : i32
    %or3A = arith.ori %shift_left3A_770, %scan3A_777 : vector<16xi32>
    %bitcast_convert_type3A = tpu.bitcast %or3A : vector<16xi32> -> vector<16xf32>
    %broadcast_in_dim3A_779 = arith.constant 0 : i32
    %broadcast_in_dim3A_780 = vector.broadcast %broadcast_in_dim3A_779 : i32 to vector<16xi32>
    %broadcast_in_dim3A_781 = arith.constant 0.000000e+00 : f32
    %broadcast_in_dim3A_782 = vector.broadcast %broadcast_in_dim3A_781 : f32 to vector<16xf32>
    %while3A = arith.constant 0 : i32
    %while3A_783 = arith.subi %select_n3A_760, %while3A : i32
    %while3A_784 = arith.addi %while3A, %while3A_783 : i32
    %while3A_785 = arith.constant 1 : i32
    %while3A_786 = arith.divsi %while3A_783, %while3A_785 : i32
    %while3A_787 = arith.muli %while3A_786, %while3A_785 : i32
    %while3A_788 = arith.addi %while3A, %while3A_787 : i32
    %while3A_789 = arith.constant 1 : i32
    %while3A_790:2 = scf.for %while3A_803 = %while3A to %while3A_788 step %while3A_789 iter_args(%while3A_804 = %broadcast_in_dim3A_780, %while3A_805 = %broadcast_in_dim3A_782) -> (vector<16xi32>, vector<16xf32>)  : i32 {
      %mul3A_806 = arith.constant 16 : i32
      %mul3A_807 = arith.muli %while3A_803, %mul3A_806 : i32
      %get3A_808 = arith.index_cast %mul3A_807 : i32 to index
      %get3A_809 = tpu.vector_load %arg6[%get3A_808] {strides = array<i32>} : memref<24576xf32, #tpu.memory_space<vmem>>, vector<16xf32>,
      %bitcast_convert_type3A_810 = tpu.bitcast %get3A_809 : vector<16xf32> -> vector<16xi32>
      %mul3A_811 = arith.constant 16 : i32
      %mul3A_812 = arith.muli %while3A_803, %mul3A_811 : i32
      %add3A_813 = vector.broadcast %mul3A_812 : i32 to vector<16xi32>
      %add3A_814 = arith.addi %add3A_813, %iota3A : vector<16xi32>
      %lt3A = arith.cmpi slt, %add3A_814, %scan3A_731 : vector<16xi32>
      %gt3A_815 = arith.cmpi sgt, %bitcast_convert_type3A_810, %or3A : vector<16xi32>
      %and3A_816 = arith.andi %gt3A_815, %lt3A : vector<16xi1>
      %all_reduce_population_count3A_817 = tpu.all_reduce %and3A_816 {dim = 0 : i64, kind = #tpu.reduction_kind<sum>} : vector<16xi1> -> vector<16xi32>
      %add3A_818 = arith.addi %while3A_804, %all_reduce_population_count3A_817 : vector<16xi32>
      %jit3A_819 = arith.constant 0.000000e+00 : f32
      %broadcast_in_dim3A_820 = vector.broadcast %jit3A_819 : f32 to vector<16xf32>
      %select_n3A_821 = arith.select %and3A_816, %get3A_809, %broadcast_in_dim3A_820 : vector<16xi1>, vector<16xf32>
      %reduce_sum3A_822 = arith.constant true
      %reduce_sum3A_823 = vector.broadcast %reduce_sum3A_822 : i1 to vector<16xi1>
      %reduce_sum3A_824 = tpu.scan <sum>, %select_n3A_821 masked %reduce_sum3A_823 : vector<16xf32>, vector<16xi1> -> vector<16xf32>
      %reduce_sum3A_825 = vector.extract %reduce_sum3A_824[15] : f32 from vector<16xf32>
      %broadcast_in_dim3A_826 = arith.constant 1.000000e+00 : f32
      %broadcast_in_dim3A_827 = vector.broadcast %broadcast_in_dim3A_826 : f32 to vector<16xf32>
      %mul3A_828 = vector.broadcast %reduce_sum3A_825 : f32 to vector<16xf32>
      %mul3A_829 = arith.mulf %mul3A_828, %broadcast_in_dim3A_827 : vector<16xf32>
      %add3A_830 = arith.addf %while3A_805, %mul3A_829 : vector<16xf32>
      scf.yield %add3A_818, %add3A_830 : vector<16xi32>, vector<16xf32>
    }
    %while3A_791 = arith.constant 1 : i32
    %while3A_792:2 = scf.for %while3A_803 = %while3A_788 to %while3A_784 step %while3A_791 iter_args(%while3A_804 = %while3A_790#0, %while3A_805 = %while3A_790#1) -> (vector<16xi32>, vector<16xf32>)  : i32 {
      %mul3A_806 = arith.constant 16 : i32
      %mul3A_807 = arith.muli %while3A_803, %mul3A_806 : i32
      %get3A_808 = arith.index_cast %mul3A_807 : i32 to index
      %get3A_809 = tpu.vector_load %arg6[%get3A_808] {strides = array<i32>} : memref<24576xf32, #tpu.memory_space<vmem>>, vector<16xf32>,
      %bitcast_convert_type3A_810 = tpu.bitcast %get3A_809 : vector<16xf32> -> vector<16xi32>
      %mul3A_811 = arith.constant 16 : i32
      %mul3A_812 = arith.muli %while3A_803, %mul3A_811 : i32
      %add3A_813 = vector.broadcast %mul3A_812 : i32 to vector<16xi32>
      %add3A_814 = arith.addi %add3A_813, %iota3A : vector<16xi32>
      %lt3A = arith.cmpi slt, %add3A_814, %scan3A_731 : vector<16xi32>
      %gt3A_815 = arith.cmpi sgt, %bitcast_convert_type3A_810, %or3A : vector<16xi32>
      %and3A_816 = arith.andi %gt3A_815, %lt3A : vector<16xi1>
      %all_reduce_population_count3A_817 = tpu.all_reduce %and3A_816 {dim = 0 : i64, kind = #tpu.reduction_kind<sum>} : vector<16xi1> -> vector<16xi32>
      %add3A_818 = arith.addi %while3A_804, %all_reduce_population_count3A_817 : vector<16xi32>
      %jit3A_819 = arith.constant 0.000000e+00 : f32
      %broadcast_in_dim3A_820 = vector.broadcast %jit3A_819 : f32 to vector<16xf32>
      %select_n3A_821 = arith.select %and3A_816, %get3A_809, %broadcast_in_dim3A_820 : vector<16xi1>, vector<16xf32>
      %reduce_sum3A_822 = arith.constant true
      %reduce_sum3A_823 = vector.broadcast %reduce_sum3A_822 : i1 to vector<16xi1>
      %reduce_sum3A_824 = tpu.scan <sum>, %select_n3A_821 masked %reduce_sum3A_823 : vector<16xf32>, vector<16xi1> -> vector<16xf32>
      %reduce_sum3A_825 = vector.extract %reduce_sum3A_824[15] : f32 from vector<16xf32>
      %broadcast_in_dim3A_826 = arith.constant 1.000000e+00 : f32
      %broadcast_in_dim3A_827 = vector.broadcast %broadcast_in_dim3A_826 : f32 to vector<16xf32>
      %mul3A_828 = vector.broadcast %reduce_sum3A_825 : f32 to vector<16xf32>
      %mul3A_829 = arith.mulf %mul3A_828, %broadcast_in_dim3A_827 : vector<16xf32>
      %add3A_830 = arith.addf %while3A_805, %mul3A_829 : vector<16xf32>
      scf.yield %add3A_818, %add3A_830 : vector<16xi32>, vector<16xf32>
    }
    %sub3A_793 = arith.subi %sub3A_762, %while3A_792#0 : vector<16xi32>
    %convert_element_type3A_794 = arith.sitofp %sub3A_793 : vector<16xi32> to vector<16xf32>
    %gt3A_795 = arith.cmpi sgt, %sub3A_762, %while3A_792#0 : vector<16xi32>
    %mul3A_796 = arith.mulf %convert_element_type3A_794, %bitcast_convert_type3A : vector<16xf32>
    %jit3A_797 = arith.constant 0.000000e+00 : f32
    %broadcast_in_dim3A_798 = vector.broadcast %jit3A_797 : f32 to vector<16xf32>
    %select_n3A_799 = arith.select %gt3A_795, %mul3A_796, %broadcast_in_dim3A_798 : vector<16xi1>, vector<16xf32>
    %add3A_800 = arith.addf %while3A_792#1, %select_n3A_799 : vector<16xf32>
    %add3A_801 = arith.addf %mul3A_724, %add3A_800 : vector<16xf32>
    %swap3A = arith.constant 0 : index
    %swap3A_802 = tpu.vector_load %arg10[%swap3A] {strides = array<i32>} : memref<16xf32, #tpu.memory_space<vmem>>, vector<16xf32>,
    tpu.vector_store %arg10[%swap3A], %add3A_801 {strides = array<i32>} : memref<16xf32, #tpu.memory_space<vmem>>, vector<16xf32>,
    "tpu.region"() ({
      %run_scoped3A = tpu.sem_alloc : memref<!tpu.dma_semaphore, #tpu.memory_space<semaphore_mem>>
      %dma_start3A = arith.constant 0 : i32
      %dma_start3A_803 = tpu.memref_slice %arg4[%add3A, %dma_start3A] : memref<32x16xf32, #tpu.memory_space<hbm>> -> memref<1x16xf32, #tpu.memory_space<hbm>>
      %dma_start3A_804 = tpu.memref_squeeze %dma_start3A_803 : memref<1x16xf32, #tpu.memory_space<hbm>> -> memref<16xf32, #tpu.memory_space<hbm>>
      %dma_start3A_805 = arith.constant 0 : i32
      %dma_start3A_806 = tpu.memref_slice %arg4[%add3A, %dma_start3A_805] : memref<32x16xf32, #tpu.memory_space<hbm>> -> memref<1x16xf32, #tpu.memory_space<hbm>>
      %dma_start3A_807 = tpu.memref_squeeze %dma_start3A_806 : memref<1x16xf32, #tpu.memory_space<hbm>> -> memref<16xf32, #tpu.memory_space<hbm>>
      tpu.enqueue_dma source(%arg10 : memref<16xf32, #tpu.memory_space<vmem>>) target(%dma_start3A_807 : memref<16xf32, #tpu.memory_space<hbm>>) target_semaphore(%run_scoped3A : memref<!tpu.dma_semaphore, #tpu.memory_space<semaphore_mem>>)
      %dma_wait3A = arith.constant 0 : i32
      %dma_wait3A_808 = tpu.memref_slice %arg4[%add3A, %dma_wait3A] : memref<32x16xf32, #tpu.memory_space<hbm>> -> memref<1x16xf32, #tpu.memory_space<hbm>>
      %dma_wait3A_809 = tpu.memref_squeeze %dma_wait3A_808 : memref<1x16xf32, #tpu.memory_space<hbm>> -> memref<16xf32, #tpu.memory_space<hbm>>
      %dma_wait3A_810 = arith.constant 0 : i32
      %dma_wait3A_811 = tpu.memref_slice %arg4[%add3A, %dma_wait3A_810] : memref<32x16xf32, #tpu.memory_space<hbm>> -> memref<1x16xf32, #tpu.memory_space<hbm>>
      %dma_wait3A_812 = tpu.memref_squeeze %dma_wait3A_811 : memref<1x16xf32, #tpu.memory_space<hbm>> -> memref<16xf32, #tpu.memory_space<hbm>>
      tpu.wait_dma2 semaphore(%run_scoped3A : memref<!tpu.dma_semaphore, #tpu.memory_space<semaphore_mem>>) src(%arg10 : memref<16xf32, #tpu.memory_space<vmem>>) dst(%dma_wait3A_812 : memref<16xf32, #tpu.memory_space<hbm>>)
      tpu.yield
    }) : () -> ()
    return
  }
}

module attributes {stable_mosaic.version = 14 : i64} {
  func.func @_phase1_body(%arg0: i32, %arg1: i32, %arg2: memref<1x8192x81xf32, #tpu.memory_space<vmem>>, %arg3: memref<1x1x8192xi32, #tpu.memory_space<vmem>>, %arg4: memref<1x1x32768xi32, #tpu.memory_space<vmem>>, %arg5: memref<1x1x32768xf32, #tpu.memory_space<vmem>>, %arg6: memref<1x1x32768xf32, #tpu.memory_space<vmem>>, %arg7: memref<1x1x1x8192xf32, #tpu.memory_space<vmem>>, %arg8: memref<1x1x128xf32, #tpu.memory_space<vmem>>, %arg9: memref<1x128xf32, #tpu.memory_space<vmem>>) attributes {dimension_semantics = [#tpu.dimension_semantics<parallel>, #tpu.dimension_semantics<arbitrary>], iteration_bounds = array<i64: 32, 3>, scalar_prefetch = 0 : i64, scratch_operands = 1 : i64, tpu.core_type = #tpu.core_type<tc>, window_params = [{transform_indices = @transform_0, window_bounds = array<i64: 1, 8192, 81>}, {transform_indices = @transform_1, window_bounds = array<i64: 1, 1, 8192>}, {transform_indices = @transform_2, window_bounds = array<i64: 1, 1, 32768>}, {transform_indices = @transform_3, window_bounds = array<i64: 1, 1, 32768>}, {transform_indices = @transform_4, window_bounds = array<i64: 1, 1, 32768>}, {transform_indices = @transform_5, window_bounds = array<i64: 1, 1, 1, 8192>}, {transform_indices = @transform_6, window_bounds = array<i64: 1, 1, 128>}]} {
    %get3A = arith.constant 0 : index
    %get3A_0 = arith.constant 0 : index
    %get3A_1 = arith.constant 0 : index
    %get3A_2 = vector.load %arg2[%get3A, %get3A_0, %get3A_1] : memref<1x8192x81xf32, #tpu.memory_space<vmem>>, vector<1x8192x81xf32>
    %get3A_3 = vector.shape_cast %get3A_2 : vector<1x8192x81xf32> to vector<8192x81xf32>
    %get3A_4 = arith.constant 0 : index
    %get3A_5 = arith.constant 0 : index
    %get3A_6 = arith.constant 0 : index
    %get3A_7 = vector.load %arg3[%get3A_4, %get3A_5, %get3A_6] : memref<1x1x8192xi32, #tpu.memory_space<vmem>>, vector<1x1x8192xi32>
    %get3A_8 = vector.shape_cast %get3A_7 : vector<1x1x8192xi32> to vector<8192xi32>
    %mul3A = arith.constant 8192 : i32
    %mul3A_9 = arith.muli %arg1, %mul3A : i32
    %iota3A = tpu.iota {dimensions = array<i32: 1>} : vector<1x8192xi32>
    %add3A = vector.broadcast %mul3A_9 : i32 to vector<1x8192xi32>
    %add3A_10 = arith.addi %add3A, %iota3A : vector<1x8192xi32>
    %lt3A = arith.constant 24564 : i32
    %lt3A_11 = vector.broadcast %lt3A : i32 to vector<1x8192xi32>
    %lt3A_12 = arith.cmpi slt, %add3A_10, %lt3A_11 : vector<1x8192xi32>
    %jit3A = arith.constant 0 : i32
    %broadcast_in_dim3A = vector.shape_cast %get3A_8 : vector<8192xi32> to vector<1x8192xi32>
    %broadcast_in_dim3A_13 = vector.broadcast %jit3A : i32 to vector<1x8192xi32>
    %select_n3A = arith.select %lt3A_12, %broadcast_in_dim3A, %broadcast_in_dim3A_13 : vector<1x8192xi1>, vector<1x8192xi32>
    %gt3A = arith.constant 0 : i32
    %gt3A_14 = vector.broadcast %gt3A : i32 to vector<1x8192xi32>
    %gt3A_15 = arith.cmpi sgt, %select_n3A, %gt3A_14 : vector<1x8192xi32>
    %reshape3A = vector.shape_cast %select_n3A : vector<1x8192xi32> to vector<8192x1xi32>
    %exp3A = math.exp %get3A_3 : vector<8192x81xf32>
    %convert_element_type3A = arith.truncf %exp3A : vector<8192x81xf32> to vector<8192x81xbf16>
    %iota3A_16 = tpu.iota {dimensions = array<i32: 1>} : vector<8192x81xi32>
    %eq3A = vector.broadcast %reshape3A : vector<8192x1xi32> to vector<8192x81xi32>
    %eq3A_17 = arith.cmpi eq, %iota3A_16, %eq3A : vector<8192x81xi32>
    %jit3A_18 = arith.constant 0.000000e+00 : f32
    %broadcast_in_dim3A_19 = vector.broadcast %jit3A_18 : f32 to vector<8192x81xf32>
    %select_n3A_20 = arith.select %eq3A_17, %get3A_3, %broadcast_in_dim3A_19 : vector<8192x81xi1>, vector<8192x81xf32>
    %convert_element_type3A_21 = arith.truncf %select_n3A_20 : vector<8192x81xf32> to vector<8192x81xbf16>
    %broadcast_in_dim3A_22 = arith.constant 1.000000e+00 : bf16
    %broadcast_in_dim3A_23 = vector.broadcast %broadcast_in_dim3A_22 : bf16 to vector<81x128xbf16>
    %dot_general3A = arith.constant dense<0.000000e+00> : vector<8192x128xf32>
    %dot_general3A_24 = tpu.matmul %convert_element_type3A, %broadcast_in_dim3A_23, %dot_general3A {dimension_numbers = #tpu.dot_dimension_numbers<[1], [0], [0], [1], [0, 0, 1, 1], [], []>, transpose_lhs_hint = false} : vector<8192x81xbf16>, vector<81x128xbf16>, vector<8192x128xf32> -> vector<8192x128xf32>
    %dot_general3A_25 = arith.constant dense<0.000000e+00> : vector<8192x128xf32>
    %dot_general3A_26 = tpu.matmul %convert_element_type3A_21, %broadcast_in_dim3A_23, %dot_general3A_25 {dimension_numbers = #tpu.dot_dimension_numbers<[1], [0], [0], [1], [0, 0, 1, 1], [], []>, transpose_lhs_hint = false} : vector<8192x81xbf16>, vector<81x128xbf16>, vector<8192x128xf32> -> vector<8192x128xf32>
    %slice3A = vector.extract_strided_slice %dot_general3A_24 {offsets = [0, 0], sizes = [8192, 1], strides = [1, 1]} : vector<8192x128xf32> to vector<8192x1xf32>
    %slice3A_27 = vector.extract_strided_slice %dot_general3A_26 {offsets = [0, 0], sizes = [8192, 1], strides = [1, 1]} : vector<8192x128xf32> to vector<8192x1xf32>
    %concatenate3A = tpu.concatenate %slice3A, %slice3A_27 in 1 : vector<8192x1xf32>, vector<8192x1xf32> -> vector<8192x2xf32>
    %transpose3A = tpu.transpose %concatenate3A, [1, 0] : vector<8192x2xf32> -> vector<2x8192xf32>
    %slice3A_28 = vector.extract_strided_slice %transpose3A {offsets = [0, 0], sizes = [1, 8192], strides = [1, 1]} : vector<2x8192xf32> to vector<1x8192xf32>
    %log3A = math.log %slice3A_28 : vector<1x8192xf32>
    %slice3A_29 = vector.extract_strided_slice %transpose3A {offsets = [1, 0], sizes = [1, 8192], strides = [1, 1]} : vector<2x8192xf32> to vector<1x8192xf32>
    %sub3A = arith.subf %log3A, %slice3A_29 : vector<1x8192xf32>
    %max3A = arith.constant 0.000000e+00 : f32
    %max3A_30 = vector.broadcast %max3A : f32 to vector<1x8192xf32>
    %max3A_31 = arith.maximumf %sub3A, %max3A_30 : vector<1x8192xf32>
    %not3A = arith.constant dense<true> : vector<1x8192xi1>
    %not3A_32 = arith.xori %gt3A_15, %not3A : vector<1x8192xi1>
    %and3A = arith.andi %lt3A_12, %not3A_32 : vector<1x8192xi1>
    %jit3A_33 = arith.constant 0.000000e+00 : f32
    %broadcast_in_dim3A_34 = vector.broadcast %jit3A_33 : f32 to vector<1x8192xf32>
    %select_n3A_35 = arith.select %and3A, %max3A_31, %broadcast_in_dim3A_34 : vector<1x8192xi1>, vector<1x8192xf32>
    %swap3A = arith.constant 0 : index
    %swap3A_36 = arith.constant 0 : index
    %swap3A_37 = arith.constant 0 : index
    %swap3A_38 = arith.constant 0 : index
    %swap3A_39 = vector.load %arg7[%swap3A, %swap3A_36, %swap3A_37, %swap3A_38] : memref<1x1x1x8192xf32, #tpu.memory_space<vmem>>, vector<1x1x1x8192xf32>
    %swap3A_40 = vector.shape_cast %swap3A_39 : vector<1x1x1x8192xf32> to vector<1x8192xf32>
    %swap3A_41 = vector.shape_cast %select_n3A_35 : vector<1x8192xf32> to vector<1x1x1x8192xf32>
    tpu.vector_store %arg7[%swap3A, %swap3A_36, %swap3A_37, %swap3A_38], %swap3A_41 {strides = array<i32>} : memref<1x1x1x8192xf32, #tpu.memory_space<vmem>>, vector<1x1x1x8192xf32>,
    %get3A_42 = arith.constant 0 : index
    %get3A_43 = arith.constant 0 : index
    %get3A_44 = arith.constant 0 : index
    %get3A_45 = vector.load %arg5[%get3A_42, %get3A_43, %get3A_44] : memref<1x1x32768xf32, #tpu.memory_space<vmem>>, vector<1x1x32768xf32>
    %get3A_46 = vector.shape_cast %get3A_45 : vector<1x1x32768xf32> to vector<32768xf32>
    %get3A_47 = arith.constant 0 : index
    %get3A_48 = arith.constant 0 : index
    %get3A_49 = arith.constant 0 : index
    %get3A_50 = vector.load %arg6[%get3A_47, %get3A_48, %get3A_49] : memref<1x1x32768xf32, #tpu.memory_space<vmem>>, vector<1x1x32768xf32>
    %get3A_51 = vector.shape_cast %get3A_50 : vector<1x1x32768xf32> to vector<32768xf32>
    %sub3A_52 = arith.subf %get3A_46, %get3A_51 : vector<32768xf32>
    %abs3A = math.absf %sub3A_52 : vector<32768xf32>
    %lt3A_53 = arith.constant 1.000000e+00 : f32
    %lt3A_54 = vector.broadcast %lt3A_53 : f32 to vector<32768xf32>
    %lt3A_55 = arith.cmpf olt, %abs3A, %lt3A_54 : vector<32768xf32>
    %mul3A_56 = arith.constant 5.000000e-01 : f32
    %mul3A_57 = vector.broadcast %mul3A_56 : f32 to vector<32768xf32>
    %mul3A_58 = arith.mulf %mul3A_57, %sub3A_52 : vector<32768xf32>
    %mul3A_59 = arith.mulf %mul3A_58, %sub3A_52 : vector<32768xf32>
    %sub3A_60 = arith.constant 5.000000e-01 : f32
    %sub3A_61 = vector.broadcast %sub3A_60 : f32 to vector<32768xf32>
    %sub3A_62 = arith.subf %abs3A, %sub3A_61 : vector<32768xf32>
    %select_n3A_63 = arith.select %lt3A_55, %mul3A_59, %sub3A_62 : vector<32768xi1>, vector<32768xf32>
    %mul3A_64 = arith.constant 4 : i32
    %mul3A_65 = arith.muli %mul3A_64, %arg1 : i32
    %mul3A_66 = arith.constant 8192 : i32
    %mul3A_67 = arith.muli %mul3A_65, %mul3A_66 : i32
    %iota3A_68 = tpu.iota {dimensions = array<i32: 1>} : vector<1x32768xi32>
    %add3A_69 = vector.broadcast %mul3A_67 : i32 to vector<1x32768xi32>
    %add3A_70 = arith.addi %add3A_69, %iota3A_68 : vector<1x32768xi32>
    %get3A_71 = arith.constant 0 : index
    %get3A_72 = arith.constant 0 : index
    %get3A_73 = arith.constant 0 : index
    %get3A_74 = vector.load %arg4[%get3A_71, %get3A_72, %get3A_73] : memref<1x1x32768xi32, #tpu.memory_space<vmem>>, vector<1x1x32768xi32>
    %get3A_75 = vector.shape_cast %get3A_74 : vector<1x1x32768xi32> to vector<32768xi32>
    %gt3A_76 = arith.constant 0 : i32
    %gt3A_77 = vector.broadcast %gt3A_76 : i32 to vector<32768xi32>
    %gt3A_78 = arith.cmpi sgt, %get3A_75, %gt3A_77 : vector<32768xi32>
    %lt3A_79 = arith.constant 98256 : i32
    %lt3A_80 = vector.broadcast %lt3A_79 : i32 to vector<1x32768xi32>
    %lt3A_81 = arith.cmpi slt, %add3A_70, %lt3A_80 : vector<1x32768xi32>
    %broadcast_in_dim3A_82 = vector.shape_cast %gt3A_78 : vector<32768xi1> to vector<1x32768xi1>
    %and3A_83 = arith.andi %broadcast_in_dim3A_82, %lt3A_81 : vector<1x32768xi1>
    %jit3A_84 = arith.constant 0.000000e+00 : f32
    %broadcast_in_dim3A_85 = vector.shape_cast %select_n3A_63 : vector<32768xf32> to vector<1x32768xf32>
    %broadcast_in_dim3A_86 = vector.broadcast %jit3A_84 : f32 to vector<1x32768xf32>
    %select_n3A_87 = arith.select %and3A_83, %broadcast_in_dim3A_85, %broadcast_in_dim3A_86 : vector<1x32768xi1>, vector<1x32768xf32>
    %reduce_sum3A = vector.shape_cast %select_n3A_87 : vector<1x32768xf32> to vector<1x1x32768xf32>
    %reduce_sum3A_88 = arith.constant dense<0.000000e+00> : vector<1xf32>
    %reduce_sum3A_89 = vector.multi_reduction <add>, %reduce_sum3A, %reduce_sum3A_88 [1, 2] : vector<1x1x32768xf32> to vector<1xf32>
    %reduce_sum3A_90 = vector.shape_cast %reduce_sum3A_89 : vector<1xf32> to vector<1x1x1xf32>
    %reduce_sum3A_91 = vector.extract %reduce_sum3A_90[0, 0, 0] : f32 from vector<1x1x1xf32>
    %convert_element_type3A_92 = arith.extui %gt3A_15 : vector<1x8192xi1> to vector<1x8192xi32>
    %convert_element_type3A_93 = arith.sitofp %convert_element_type3A_92 : vector<1x8192xi32> to vector<1x8192xf32>
    %reduce_sum3A_94 = vector.shape_cast %convert_element_type3A_93 : vector<1x8192xf32> to vector<1x1x8192xf32>
    %reduce_sum3A_95 = arith.constant dense<0.000000e+00> : vector<1xf32>
    %reduce_sum3A_96 = vector.multi_reduction <add>, %reduce_sum3A_94, %reduce_sum3A_95 [1, 2] : vector<1x1x8192xf32> to vector<1xf32>
    %reduce_sum3A_97 = vector.shape_cast %reduce_sum3A_96 : vector<1xf32> to vector<1x1x1xf32>
    %reduce_sum3A_98 = vector.extract %reduce_sum3A_97[0, 0, 0] : f32 from vector<1x1x1xf32>
    %jit3A_99 = arith.constant 0.000000e+00 : f32
    %broadcast_in_dim3A_100 = vector.broadcast %jit3A_99 : f32 to vector<1x8192xf32>
    %select_n3A_101 = arith.select %gt3A_15, %max3A_31, %broadcast_in_dim3A_100 : vector<1x8192xi1>, vector<1x8192xf32>
    %reduce_sum3A_102 = vector.shape_cast %select_n3A_101 : vector<1x8192xf32> to vector<1x1x8192xf32>
    %reduce_sum3A_103 = arith.constant dense<0.000000e+00> : vector<1xf32>
    %reduce_sum3A_104 = vector.multi_reduction <add>, %reduce_sum3A_102, %reduce_sum3A_103 [1, 2] : vector<1x1x8192xf32> to vector<1xf32>
    %reduce_sum3A_105 = vector.shape_cast %reduce_sum3A_104 : vector<1xf32> to vector<1x1x1xf32>
    %reduce_sum3A_106 = vector.extract %reduce_sum3A_105[0, 0, 0] : f32 from vector<1x1x1xf32>
    %iota3A_107 = tpu.iota {dimensions = array<i32: 1>} : vector<1x128xi32>
    %eq3A_108 = arith.constant 0 : i32
    %eq3A_109 = vector.broadcast %eq3A_108 : i32 to vector<1x128xi32>
    %eq3A_110 = arith.cmpi eq, %iota3A_107, %eq3A_109 : vector<1x128xi32>
    %jit3A_111 = arith.constant 0.000000e+00 : f32
    %broadcast_in_dim3A_112 = vector.broadcast %reduce_sum3A_98 : f32 to vector<1x128xf32>
    %broadcast_in_dim3A_113 = vector.broadcast %jit3A_111 : f32 to vector<1x128xf32>
    %select_n3A_114 = arith.select %eq3A_110, %broadcast_in_dim3A_112, %broadcast_in_dim3A_113 : vector<1x128xi1>, vector<1x128xf32>
    %eq3A_115 = arith.constant 1 : i32
    %eq3A_116 = vector.broadcast %eq3A_115 : i32 to vector<1x128xi32>
    %eq3A_117 = arith.cmpi eq, %iota3A_107, %eq3A_116 : vector<1x128xi32>
    %jit3A_118 = arith.constant 0.000000e+00 : f32
    %broadcast_in_dim3A_119 = vector.broadcast %reduce_sum3A_106 : f32 to vector<1x128xf32>
    %broadcast_in_dim3A_120 = vector.broadcast %jit3A_118 : f32 to vector<1x128xf32>
    %select_n3A_121 = arith.select %eq3A_117, %broadcast_in_dim3A_119, %broadcast_in_dim3A_120 : vector<1x128xi1>, vector<1x128xf32>
    %add3A_122 = arith.addf %select_n3A_114, %select_n3A_121 : vector<1x128xf32>
    %eq3A_123 = arith.constant 2 : i32
    %eq3A_124 = vector.broadcast %eq3A_123 : i32 to vector<1x128xi32>
    %eq3A_125 = arith.cmpi eq, %iota3A_107, %eq3A_124 : vector<1x128xi32>
    %jit3A_126 = arith.constant 0.000000e+00 : f32
    %broadcast_in_dim3A_127 = vector.broadcast %reduce_sum3A_91 : f32 to vector<1x128xf32>
    %broadcast_in_dim3A_128 = vector.broadcast %jit3A_126 : f32 to vector<1x128xf32>
    %select_n3A_129 = arith.select %eq3A_125, %broadcast_in_dim3A_127, %broadcast_in_dim3A_128 : vector<1x128xi1>, vector<1x128xf32>
    %add3A_130 = arith.addf %add3A_122, %select_n3A_129 : vector<1x128xf32>
    %eq3A_131 = arith.constant 0 : i32
    %eq3A_132 = arith.cmpi eq, %arg1, %eq3A_131 : i32
    %convert_element_type3A_133 = arith.extui %eq3A_132 : i1 to i32
    %cond3A = arith.constant 0 : i32
    %cond3A_134 = arith.cmpi ne, %convert_element_type3A_133, %cond3A : i32
    scf.if %cond3A_134 {
      %swap3A_144 = arith.constant 0 : index
      %swap3A_145 = arith.constant 0 : index
      %swap3A_146 = vector.load %arg9[%swap3A_144, %swap3A_145] : memref<1x128xf32, #tpu.memory_space<vmem>>, vector<1x128xf32>
      tpu.vector_store %arg9[%swap3A_144, %swap3A_145], %add3A_130 {strides = array<i32>} : memref<1x128xf32, #tpu.memory_space<vmem>>, vector<1x128xf32>,
    } else {
    }
    %ne3A = arith.constant 0 : i32
    %ne3A_135 = arith.cmpi ne, %arg1, %ne3A : i32
    %convert_element_type3A_136 = arith.extui %ne3A_135 : i1 to i32
    %cond3A_137 = arith.constant 0 : i32
    %cond3A_138 = arith.cmpi ne, %convert_element_type3A_136, %cond3A_137 : i32
    scf.if %cond3A_138 {
      %get3A_144 = arith.constant 0 : index
      %get3A_145 = arith.constant 0 : index
      %get3A_146 = vector.load %arg9[%get3A_144, %get3A_145] : memref<1x128xf32, #tpu.memory_space<vmem>>, vector<1x128xf32>
      %add3A_147 = arith.addf %get3A_146, %add3A_130 : vector<1x128xf32>
      %swap3A_148 = arith.constant 0 : index
      %swap3A_149 = arith.constant 0 : index
      %swap3A_150 = vector.load %arg9[%swap3A_148, %swap3A_149] : memref<1x128xf32, #tpu.memory_space<vmem>>, vector<1x128xf32>
      tpu.vector_store %arg9[%swap3A_148, %swap3A_149], %add3A_147 {strides = array<i32>} : memref<1x128xf32, #tpu.memory_space<vmem>>, vector<1x128xf32>,
    } else {
    }
    %eq3A_139 = arith.constant 2 : i32
    %eq3A_140 = arith.cmpi eq, %arg1, %eq3A_139 : i32
    %convert_element_type3A_141 = arith.extui %eq3A_140 : i1 to i32
    %cond3A_142 = arith.constant 0 : i32
    %cond3A_143 = arith.cmpi ne, %convert_element_type3A_141, %cond3A_142 : i32
    scf.if %cond3A_143 {
      %get3A_144 = arith.constant 0 : index
      %get3A_145 = arith.constant 0 : index
      %get3A_146 = vector.load %arg9[%get3A_144, %get3A_145] : memref<1x128xf32, #tpu.memory_space<vmem>>, vector<1x128xf32>
      %swap3A_147 = arith.constant 0 : index
      %swap3A_148 = arith.constant 0 : index
      %swap3A_149 = arith.constant 0 : index
      %swap3A_150 = vector.load %arg8[%swap3A_147, %swap3A_148, %swap3A_149] : memref<1x1x128xf32, #tpu.memory_space<vmem>>, vector<1x1x128xf32>
      %swap3A_151 = vector.shape_cast %swap3A_150 : vector<1x1x128xf32> to vector<1x128xf32>
      %swap3A_152 = vector.shape_cast %get3A_146 : vector<1x128xf32> to vector<1x1x128xf32>
      tpu.vector_store %arg8[%swap3A_147, %swap3A_148, %swap3A_149], %swap3A_152 {strides = array<i32>} : memref<1x1x128xf32, #tpu.memory_space<vmem>>, vector<1x1x128xf32>,
    } else {
    }
    return
  }
  func.func @transform_0(%arg0: i32, %arg1: i32) -> (i32, i32, i32) {
    %c0_i32 = arith.constant 0 : i32
    %c0_i32_0 = arith.constant 0 : i32
    return %arg0, %arg1, %c0_i32 : i32, i32, i32
  }
  func.func @transform_1(%arg0: i32, %arg1: i32) -> (i32, i32, i32) {
    %c0_i32 = arith.constant 0 : i32
    %c0_i32_0 = arith.constant 0 : i32
    return %arg0, %c0_i32, %arg1 : i32, i32, i32
  }
  func.func @transform_2(%arg0: i32, %arg1: i32) -> (i32, i32, i32) {
    %c0_i32 = arith.constant 0 : i32
    %c0_i32_0 = arith.constant 0 : i32
    return %arg0, %c0_i32, %arg1 : i32, i32, i32
  }
  func.func @transform_3(%arg0: i32, %arg1: i32) -> (i32, i32, i32) {
    %c0_i32 = arith.constant 0 : i32
    %c0_i32_0 = arith.constant 0 : i32
    return %arg0, %c0_i32, %arg1 : i32, i32, i32
  }
  func.func @transform_4(%arg0: i32, %arg1: i32) -> (i32, i32, i32) {
    %c0_i32 = arith.constant 0 : i32
    %c0_i32_0 = arith.constant 0 : i32
    return %arg0, %c0_i32, %arg1 : i32, i32, i32
  }
  func.func @transform_5(%arg0: i32, %arg1: i32) -> (i32, i32, i32, i32) {
    %c0_i32 = arith.constant 0 : i32
    %c0_i32_0 = arith.constant 0 : i32
    %c0_i32_1 = arith.constant 0 : i32
    return %arg0, %arg1, %c0_i32, %c0_i32_0 : i32, i32, i32, i32
  }
  func.func @transform_6(%arg0: i32, %arg1: i32) -> (i32, i32, i32) {
    %c0_i32 = arith.constant 0 : i32
    %c0_i32_0 = arith.constant 0 : i32
    %c0_i32_1 = arith.constant 0 : i32
    return %arg0, %c0_i32, %c0_i32_0 : i32, i32, i32
  }
}

</mosaic_0001>

<sc_bundles>
// kernel: kernel.4.cloned.1.call-start
scs
__scs_entry_jumppad:
0x0: {  	(pc) =	sbr.rel $0x88, $3  }
0x1: {  	(tag) =	ssettag $0x0;
	lr =	simm.s32 $0x1  }
0x2: {  	[smem:$0x3F9D] =	sst lr;
	_ =	strace $0xD0000000  }
0x3: {  	_ = 	snop  }
0x4: {  	_ = 	snop  }
0x5: {  	_ = 	snop  }
0x6: {  	_ = 	snop  }
0x7: {  	_ = 	snop  }
__scs_overlays_trampoline_lowered:
0x8: {  	[smem:$0x3FAC] =	sst s0  }
0x9: {  	[smem:$0x3FAD] =	sst s1  }
0xa: {  	[smem:$0x3FAE] =	sst s2  }
0xb: {  	[smem:$0x3FAF] =	sst s3  }
0xc: {  	[smem:$0x3FB0] =	sst s4  }
0xd: {  	[smem:$0x3FB1] =	sst s5  }
0xe: {  	[smem:$0x3FB2] =	sst s6  }
0xf: {  	[smem:$0x3FB3] =	sst s7  }
0x10: {  	[smem:$0x3FB4] =	sst s8  }
0x11: {  	[smem:$0x3FB5] =	sst s9;
	s0 =	simm.s32 @!p0 $0x0  }
0x12: {  	s1 =	sld [smem:$0x3F9B];
	s0 =	simm.s32 @p0 $0x1  }
0x13: {  	[smem:$0x3FB6] =	sst s0;
	s0 =	simm.s32 @!p1 $0x0  }
0x14: {  	s2 =	sld [smem:$0x3F9A];
	s0 =	simm.s32 @p1 $0x1  }
0x15: {  	[smem:$0x3FB7] =	sst s0;
	s0 =	simm.s32 @!p2 $0x0  }
0x16: {  	s3 =	sld [smem:$0x3FDB];
	s0 =	simm.s32 @p2 $0x1  }
0x17: {  	s4 =	simm.s32 $0x1BF5;
	[smem:$0x3FB9] =	sst s0  }
0x18: {  	s0 =	sld [smem:$0x3F9C];
	_ =	swait.ge [sflag:s4], $0x0  }
0x19: {  	s7 =	sld [smem:$0x3F9D]  }
0x1a: {  	s8 =	sadd.s32 $0xFFFFE003, lr  }
0x1b: {  	s9 =	sadd.s32 $0xFFFFFEF7, lr;
	s5 =	simm.s32 $0xFFFFFFFF;
	p2 =	slt.u32 s8, $0xFFFFF086  }
0x1c: {  	p1 =	slt.u32 s9, $0xF7A;
	s5 =	simm.s32 @!p2 $0x0  }
0x1d: {  	s5 =	simm.s32 @p1 $0x1;
	p0 =	seq.s32 s7, s2  }
0x1e: {  	s7 =	smul.u32 @!p0 $0xF7A, s2;
	p2 =	seq.s32 @!p0 s5, $0x0  }
0x1f: {  	s9 =	smul.u32 $0xF7A, s1;
	s8 =	simm.s32 @!p0 $0x1BF5;
	p2 =	por !p2, p0  }
0x20: {  	[sflag:s8] =	ssyncset.s32 @!p0 $0xFFFFF086;
	s6 =	sadd.s32 @!p0 s3, s7;
	s7 =	simm.s32 @!p0 $0x108  }
0x21: {  	s3 =	sadd.s32 s3, s9;
	s6 =	sadd.s32 @!p0 $0x88, s6;
	s7 =	simm.s32 @p2 $0x1082  }
0x22: {  	[simem:s7], [sflag:s8] =	dma.local @!p0 [hbm:s6], $0xF7A  }
0x23: {  	s9 =	sor.u32 $0xD0000000, s2;
	s6 =	simm.s32 $0x108;
	_ =	swait.ge @!p0 [sflag:s8], $0x0  }
0x24: {  	s3 =	sadd.s32 $0x88, s3;
	s6 =	simm.s32 @!p1 $0x1082;
	[sflag:s4] =	ssyncset.s32 $0xFFFFF086  }
0x25: {  	[simem:s6], [sflag:s4] =	dma.local [hbm:s3], $0xF7A  }
0x26: {  	[smem:$0x3F9D] =	sst s1;
	(tag) =	ssettag s2;
	_ =	strace s9  }
0x27: {  	s1 =	sld [smem:$0x3FAD]  }
0x28: {  	s2 =	sld [smem:$0x3FAE]  }
0x29: {  	s4 =	sld [smem:$0x3FB0]  }
0x2a: {  	p0 =	seq.s32 s5, $0x0;
	s5 =	sld [smem:$0x3FB1]  }
0x2b: {  	s6 =	sld [smem:$0x3FB2]  }
0x2c: {  	s7 =	sld [smem:$0x3FB3]  }
0x2d: {  	s3 =	simm.s32 $0x108;
	s8 =	sld [smem:$0x3FB4]  }
0x2e: {  	s3 =	simm.s32 @!p0 $0x1082;
	s9 =	sld [smem:$0x3FB5]  }
0x2f: {  	lr =	sadd.s32 s0, s3;
	s0 =	sld [smem:$0x3FAC]  }
0x30: {  	s3 =	sld [smem:$0x3FAF]  }
0x31: {  	[smem:$0x3FB8] =	sst s10  }
0x32: {  	s10 =	sld [smem:$0x3FB6];
	_ =	sdelay $0x3  }
0x33: {  	p0 =	seq.s32 s10, $0x1;
	s10 =	sld [smem:$0x3FB8];
	_ =	sdelay $0x3  }
0x34: {  	[smem:$0x3FB8] =	sst s10  }
0x35: {  	s10 =	sld [smem:$0x3FB7];
	_ =	sdelay $0x3  }
0x36: {  	p1 =	seq.s32 s10, $0x1;
	s10 =	sld [smem:$0x3FB8];
	_ =	sdelay $0x3  }
0x37: {  	[smem:$0x3FB8] =	sst s10  }
0x38: {  	s10 =	sld [smem:$0x3FB9]  }
0x39: {  	_ = 	snop;
	(pc) =	sbr.ind lr, $3  }
0x3a: {  	_ = 	snop  }
0x3b: {  	_ = 	snop  }
0x3c: {  	p2 =	seq.s32 s10, $0x1;
	s10 =	sld [smem:$0x3FB8]  }
0x3d: {  	_ =	shalt  }
0x3e: {  	_ =	shalt  }
0x3f: {  	_ =	shalt  }
0x40: {  	_ =	shalt  }
0x41: {  	_ =	shalt  }
0x42: {  	_ =	shalt  }
0x43: {  	_ =	shalt  }
0x44: {  	_ =	shalt  }
0x45: {  	_ =	shalt  }
0x46: {  	_ =	shalt  }
0x47: {  	_ =	shalt  }
0x48: {  	_ =	shalt  }
0x49: {  	_ =	shalt  }
0x4a: {  	_ =	shalt  }
0x4b: {  	_ =	shalt  }
0x4c: {  	_ =	shalt  }
0x4d: {  	_ =	shalt  }
0x4e: {  	_ =	shalt  }
0x4f: {  	_ =	shalt  }
0x50: {  	_ =	shalt  }
0x51: {  	_ =	shalt  }
0x52: {  	_ =	shalt  }
0x53: {  	_ =	shalt  }
0x54: {  	_ =	shalt  }
0x55: {  	_ =	shalt  }
0x56: {  	_ =	shalt  }
0x57: {  	_ =	shalt  }
0x58: {  	_ =	shalt  }
0x59: {  	_ =	shalt  }
0x5a: {  	_ =	shalt  }
0x5b: {  	_ =	shalt  }
0x5c: {  	_ =	shalt  }
0x5d: {  	_ =	shalt  }
0x5e: {  	_ =	shalt  }
0x5f: {  	_ =	shalt  }
0x60: {  	_ =	shalt  }
0x61: {  	_ =	shalt  }
0x62: {  	_ =	shalt  }
0x63: {  	_ =	shalt  }
0x64: {  	_ =	shalt  }
0x65: {  	_ =	shalt  }
0x66: {  	_ =	shalt  }
0x67: {  	_ =	shalt  }
0x68: {  	_ =	shalt  }
0x69: {  	_ =	shalt  }
0x6a: {  	_ =	shalt  }
0x6b: {  	_ =	shalt  }
0x6c: {  	_ =	shalt  }
0x6d: {  	_ =	shalt  }
0x6e: {  	_ =	shalt  }
0x6f: {  	_ =	shalt  }
0x70: {  	_ =	shalt  }
0x71: {  	_ =	shalt  }
0x72: {  	_ =	shalt  }
0x73: {  	_ =	shalt  }
0x74: {  	_ =	shalt  }
0x75: {  	_ =	shalt  }
0x76: {  	_ =	shalt  }
0x77: {  	_ =	shalt  }
0x78: {  	_ =	shalt  }
0x79: {  	_ =	shalt  }
0x7a: {  	_ =	shalt  }
0x7b: {  	_ =	shalt  }
0x7c: {  	_ =	shalt  }
0x7d: {  	_ =	shalt  }
0x7e: {  	_ =	shalt  }
0x7f: {  	_ =	shalt  }
0x80: {  	_ =	shalt  }
0x81: {  	_ =	shalt  }
0x82: {  	_ =	shalt  }
0x83: {  	_ =	shalt  }
0x84: {  	_ =	shalt  }
0x85: {  	_ =	shalt  }
0x86: {  	_ =	shalt  }
0x87: {  	_ =	shalt  }
.Lfunc_end0:
.L_simem_size_0:
called_computation_lowered:
.L_overlay_start_0:
0x88: {  	s2 =	sld [smem:$0x3FD9]  }
0x89: {  	s3 =	sld [smem:$0x3FFE];
	_ =	sdelay $0x1  }
0x8a: {  	s1 =	srdreg.scid  }
0x8b: {  	s0 =	sand.u32 $0x1, s1  }
0x8c: {  	s16 =	sshll.u32 s0, $0xA;
	s2 =	sadd.s32 s3, s2  }
0x8d: {  	s2 =	sadd.s32 s2, s16  }
0x8e: {  	[smem:$0x3FC4] =	sst s2  }
0x8f: {  	_ = 	snop  }
0x90: {  	(tm) =	ssettm $0x1  }
0x91: {  	s17 =	sld [smem:$0x3FFB];
	_ =	sdelay $0x3  }
0x92: {  	_ =	strace s17  }
0x93: {  	s2 =	sld [smem:$0x3FFC];
	_ =	sdelay $0x3  }
0x94: {  	_ =	strace s2  }
0x95: {  	s2 =	sld [smem:$0x3FFD];
	_ =	sdelay $0x3  }
0x96: {  	_ =	strace s2  }
0x97: {  	_ =	strace $0x8FFFFFFF  }
0x98: {  	s18 =	sld [smem:$0x3FDB];
	_ =	sdelay $0x1  }
0x99: {  	s19 =	simm.s32 $_scs_section_size  }
0x9a: {  	s4 =	simm.s32 $_size__tile_overlayer_lowered;
	s5 =	simm.s32 $_tile_overlayer_lowered  }
0x9b: {  	s22 =	simm.s32 $0x1BFF;
	s21 =	sshll.u32 s5, $0x1;
	s2 =	sadd.s32 s19, s18  }
0x9c: {  	s6 =	simm.s32 $0x0;
	s20 =	sshll.u32 s4, $0x1;
	s4 =	sadd.s32 s21, s2  }
0x9d: {  	[timem:s6], [sflag:s22] =	dma.local [hbm:s4], s20  }
0x9e: {  	_ =	swait.ge [sflag:s22], s20  }
0x9f: {  	s3 =	ssub.s32 $0x0, s20;
	[sflag:s22] =	ssyncset.done $0x0  }
0xa0: {  	[sflag:s22] =	ssyncadd.s32 s3;
	_ =	sdelay $0x1  }
0xa1: {  	s23 =	simm.s32 $0x1B8B  }
0xa2: {  	_ =	swait.ge [sflag:s23], $0x1  }
0xa3: {  	[sflag:s23] =	ssyncset.done $0x0  }
0xa4: {  	s25 =	simm.s32 $0x1B8E;
	s24 =	sld [smem:$0x3FFE];
	[sflag:s23] =	ssyncadd.s32 $0xFFFFFFFF  }
0xa5: {  	s26 =	simm.s32 $execute0_lowered;
	[smem:$0x3FD2] =	sst s25  }
0xa6: {  	s4 =	sshll.u32 s26, $0x1;
	_ =	strace $0x80000046;
	[dreg:$0x1] =	wrdreg $0xFFFFFFFF  }
0xa7: {  	s28 =	simm.s32 $_size_execute0_lowered;
	s2 =	sadd.s32 s2, s4;
	[dreg:$0x0] =	wrdreg $0x0  }
0xa8: {  	s4 =	sshll.u32 s28, $0x1;
	[dreg:$0x2] =	wrdreg s2  }
0xa9: {  	[dreg:$0x3] =	wrdreg s4  }
0xaa: {  	[dreg:$0x4] =	wrdreg $0xC0  }
0xab: {  	_ =	task [dreg:s6], $0x5FFFF  }
0xac: {  	[dreg:$0x1] =	wrdreg $0xFFFFFFFF  }
0xad: {  	[dreg:$0x0] =	wrdreg $0x60  }
0xae: {  	[dreg:$0x2] =	wrdreg s24  }
0xaf: {  	[dreg:$0x3] =	wrdreg $0x9  }
0xb0: {  	_ =	task.clear_ibuf [dreg:s6], $0x4FFFF;
	_ =	strace $0x90000046  }
0xb1: {  	s29 =	simm.s32 $0x9;
	_ =	strace $0x80000048  }
0xb2: {  	_ =	swait.ge [sflag:s29], $0x1  }
0xb3: {  	[sflag:s29] =	ssyncadd.s32 $0xFFFFFFFF  }
0xb4: {  	_ =	strace $0x90000048  }
0xb5: {  	_ =	sfence  }
0xb6: {  	s30 =	sld [smem:$0x0];
	_ =	sdelay $0x2  }
0xb7: {  	s31 =	sshll.u32 s1, $0xD;
	s1 =	sshrl.u32 s1, $0x2  }
0xb8: {  	s3 =	sand.u32 $0x4000, s31;
	s1 =	sadd.s32 s1, s30  }
0xb9: {  	s0 =	sor.u32 s3, s0;
	s1 =	sshll.u32 s1, $0x11  }
0xba: {  	s0 =	sor.u32 s1, s0  }
0xbb: {  	s0 =	sadd.s32 $0x8F2B, s0  }
0xbc: {  	[sflag:s0] =	ssyncadd.remote.s32 $0x1  }
0xbd: {  	_ =	sfence.sel $0xFFFF  }
0xbe: {  	[dreg:$0x0] =	wrdreg $0xFFFFFFFF;
	(pc) =	sbr.abs _section_cstart, $3  }
0xbf: {  	[dreg:$0x1] =	wrdreg $0xFFFFFFFF  }
0xc0: {  	_ =	task.clear_ibuf [dreg:s6], $0x2FFFF;
	_ =	strace $0x9FFFFFFF  }
0xc1: {  	(tm) =	ssettm $0x7FFFFFFF  }
tec
execute0_lowered:
.L_overlay_start_1:
0x0: {  	(tag) =	ssettag $0x1  }
0x1: {  	s3 =	rddreg [dreg:$0x0]  }
0x2: {  	s0 =	rddreg [dreg:$0x1]  }
0x3: {  	s2 =	simm.s32 $0x0;
	s4 =	srdreg.scid;
	s1 =	stileid.u32  }
0x4: {  	s9 =	simm.s32 $0x1;
	s10 =	simm.s32 $0xE200;
	s11 =	simm.s32 $0xC000  }
0x5: {  	s12 =	simm.s32 $0xD100;
	s13 =	simm.s32 $0x6000;
	s14 =	simm.s32 $0xE280  }
0x6: {  	s15 =	simm.s32 $0x0;
	s4 =	sand.u32 $0x1, s4;
	s5 =	sshrl.u32 s1, $0x2  }
0x7: {  	s6 =	sshll.u32 s1, $0x8;
	[smem:$0x7FF] =	sst s2;
	s7 =	smul.u32 $0x30000, s5  }
0x8: {  	s8 =	sshll.u32 s4, $0x7;
	s6 =	sand.u32 $0x300, s6;
	_ =	strace $0x80000047  }
0x9: {  	s5 =	sshll.u32 s5, $0xA;
	s4 =	ssub.s32 $0x2, s4;
	s6 =	sor.u32 s8, s6  }
.Ltmp0:
0xa: {  	s7 =	sor.u32 s7, s6;
	s5 =	sor.u32 s5, s6;
	(pc) =	sbr.rel .LBB2_1-.Ltmp0, $4  }
0xb: {  	s31 =	sshrl.u32 s4, $0x1;
	s7 =	sshrl.u32 s7, $0x3;
	s5 =	sshrl.u32 s5, $0x3  }
0xc: {  	s8 =	simm.s32 $0x400;
	s30 =	sadd.s32 s7, s3;
	s5 =	sadd.s32 s5, s3  }
0xd: {  	v0 =	vlaneseq.u32;
	v1 =	vimm.f32 $0.0e+00;
	v3 =	vimm.f32 $1.000000000e+00;
	s7 =	ssub.s32 s4, s31;
	s3 =	sadd.s32 $0x200, s30;
	s4 =	sadd.s32 $0x18200, s5  }
0xe: {  	v4 =	vimm.s32 $0x0;
	v5 =	vimm.s32 $0x1;
	v2 =	vmul.u32 $0x100, v0;
	s5 =	sadd.s32 $0x18400, s5;
	s6 =	smax.u32 s7, $0x1;
	s7 =	simm.s32 $0x80  }
.LBB2_17:
0xf: {  	v12 =	vimm.f32 $0.0e+00  }
.LBB2_23:
0x10: {  	vm0 =	vmand vm0, vm1  }
0x11: {  	v11 =	vnsel vm0, $0x0, v11  }
0x12: {  	(xrf2) =	vadd.scan.msk.f32 $0xffff, v11;
	_ =	sdelay $0x3  }
0x13: {  	v11, _, _ =	vpop @p1 (xrf2)  }
0x14: {  	v11 =	vbroadcast @p1 v11, $0xF;
	_ =	sdelay $0x1  }
0x15: {  	v11 =	vadd.f32 @p1 v11, v12;
	v12, _, _ =	vpop @p0 (xrf2)  }
0x16: {  	v12 =	vbroadcast @p0 v12, $0xF  }
0x17: {  	v11 =	vpsel p1, v11, v8  }
0x18: {  	v11 =	vadd.f32 @p0 v12, v11;
	v63, _, _ =	vpop (xrf2)  }
0x19: {  	v13 =	vmpcnt.ones.xlane vm0;
	v12 =	vbroadcast v63, $0xF  }
0x1a: {  	v8 =	vpsel p0, v11, v8  }
0x1b: {  	v10 =	vadd.s32 v10, v13;
	v8 =	vadd.f32 v12, v8  }
.LBB2_24:
0x1c: {  	v11 =	vsub.s32 v6, v10  }
0x1d: {  	v11 =	vcvt.s32.f32 v11;
	_ =	sdelay $0x1  }
0x1e: {  	v9 =	vmul.f32 v11, v9  }
0x1f: {  	vm0 =	vgt.s32 v6, v10  }
0x20: {  	v6 =	vnsel vm0, $0x0, v9  }
0x21: {  	v7 =	vbroadcast v7, $0xF;
	v6 =	vadd.f32 v6, v8;
	_ =	sdelay $0x1  }
0x22: {  	s15 =	sadd.s32 $0x1, s15;
	v6 =	vadd.f32 v6, v7  }
0x23: {  	p0 =	sne.s32 s15, s6  }
.Ltmp1:
0x24: {  	[tilespmem:$0xE280] =	vst v6;
	(pc) =	sbr.rel @!p0 .LBB2_25-.Ltmp1, $4  }
0x25: {  	[hbm4b:s5+s2] =	stream.linear.scatter [tilespmem:s14], [sflag:$0x1], $0x80, $0x38;
	[tilespmem:$0xE300] =	vst v63  }
0x26: {  	_ =	swait.ge [sflag:s9], $0x80  }
0x27: {  	[sflag:s9] =	ssyncset.done $0x0  }
0x28: {  	[sflag:s9] =	ssyncadd.s32 $0xFFFFFF80  }
.LBB2_1:
0x29: {  	[tilespmem:s2], [sflag:$0x1] =	stream.strided.gather [hbm4b:s3+s7], $0x6000, s8, s7, $0x38;
	[tilespmem:$0xE300] =	vst v63  }
0x2a: {  	_ =	swait.ge [sflag:s9], $0x6000  }
0x2b: {  	[sflag:s9] =	ssyncset.done $0x0  }
0x2c: {  	[sflag:s9] =	ssyncadd.s32 $0xFFFFA000  }
0x2d: {  	[tilespmem:s10], [sflag:$0x1] =	stream.linear.gather [hbm4b:s4+s2], $0x80, $0x38;
	[tilespmem:$0xE300] =	vst v63  }
0x2e: {  	_ =	swait.ge [sflag:s9], $0x80  }
0x2f: {  	[sflag:s9] =	ssyncset.done $0x0  }
0x30: {  	[sflag:s9] =	ssyncadd.s32 $0xFFFFFF80  }
0x31: {  	s16 =	simm.s32 $0x0;
	v6 =	vld [tilespmem:$0xE200]  }
.LBB2_2:
0x32: {  	p0 =	sne.s32 s16, $0x3FC0  }
.Ltmp2:
0x33: {  	_ = 	snop;
	(pc) =	sbr.rel @p0 .LBB2_2-.Ltmp2, $4  }
0x34: {  	_ = 	snop  }
0x35: {  	s17 =	sshra.s32 s16, $0x2  }
0x36: {  	[tilespmem:s17+$0xC000] =	vst v1  }
0x37: {  	s16 =	sadd.s32 $0x40, s16;
	[tilespmem:s17+$0xD100] =	vst v1  }
0x38: {  	s16 =	simm.s32 $0x0  }
.LBB2_4:
0x39: {  	s17 =	sshra.s32 s16, $0x2  }
0x3a: {  	v7 =	vld [tilespmem:s17+$0x0];
	_ =	sdelay $0x4  }
0x3b: {  	v8 =	vshra.s32 v7, $0x17  }
0x3c: {  	v8 =	vadd.s32 v2, v8  }
0x3d: {  	p0 =	sne.s32 s16, $0x17FC0  }
.Ltmp3:
0x3e: {  	_ = 	snop;
	(pc) =	sbr.rel @p0 .LBB2_4-.Ltmp3, $3  }
0x3f: {  	_ =	sdelay $0x1  }
0x40: {  	[tilespmem:v8+s11+$0x0] =	vst.idx.add.f32.msk $0xffff, v3  }
0x41: {  	s16 =	sadd.s32 $0x40, s16;
	[tilespmem:v8+s12+$0x0] =	vst.idx.add.f32.msk $0xffff, v7  }
0x42: {  	s16 =	simm.s32 $0xFFFFFF00  }
0x43: {  	v7 =	vld [tilespmem:s16+$0xD200]  }
0x44: {  	v8 =	vld [tilespmem:s16+$0xC100]  }
0x45: {  	v9 =	vld [tilespmem:s16+$0xD300]  }
0x46: {  	v10 =	vld [tilespmem:s16+$0xC200]  }
0x47: {  	v11 =	vld [tilespmem:s16+$0xD400]  }
0x48: {  	v12 =	vld [tilespmem:s16+$0xC300];
	v7 =	vadd.f32 $0.0e+00, v7  }
0x49: {  	v13 =	vld [tilespmem:s16+$0xD500];
	v8 =	vadd.f32 $0.0e+00, v8  }
0x4a: {  	v7 =	vadd.f32 v9, v7;
	v9 =	vld [tilespmem:s16+$0xC400]  }
0x4b: {  	v14 =	vld [tilespmem:s16+$0xD600];
	v8 =	vadd.f32 v10, v8  }
0x4c: {  	v10 =	vld [tilespmem:s16+$0xC500];
	v7 =	vadd.f32 v11, v7  }
0x4d: {  	v11 =	vld [tilespmem:s16+$0xD700];
	v8 =	vadd.f32 v12, v8  }
0x4e: {  	v12 =	vld [tilespmem:s16+$0xC600];
	v7 =	vadd.f32 v13, v7  }
0x4f: {  	v13 =	vld [tilespmem:s16+$0xD800];
	v8 =	vadd.f32 v9, v8  }
0x50: {  	v9 =	vld [tilespmem:s16+$0xC700];
	v7 =	vadd.f32 v14, v7  }
0x51: {  	v14 =	vld [tilespmem:s16+$0xD900];
	v8 =	vadd.f32 v10, v8  }
0x52: {  	v10 =	vld [tilespmem:s16+$0xC800];
	v7 =	vadd.f32 v11, v7  }
0x53: {  	v11 =	vld [tilespmem:s16+$0xDA00];
	v8 =	vadd.f32 v12, v8  }
0x54: {  	v12 =	vld [tilespmem:s16+$0xC900];
	v7 =	vadd.f32 v13, v7  }
0x55: {  	v13 =	vld [tilespmem:s16+$0xDB00];
	v8 =	vadd.f32 v9, v8  }
0x56: {  	v9 =	vld [tilespmem:s16+$0xCA00];
	v7 =	vadd.f32 v14, v7  }
0x57: {  	v14 =	vld [tilespmem:s16+$0xDC00];
	v8 =	vadd.f32 v10, v8  }
0x58: {  	v10 =	vld [tilespmem:s16+$0xCB00];
	v7 =	vadd.f32 v11, v7  }
0x59: {  	v11 =	vld [tilespmem:s16+$0xDD00];
	v8 =	vadd.f32 v12, v8  }
0x5a: {  	v12 =	vld [tilespmem:s16+$0xCC00];
	v7 =	vadd.f32 v13, v7  }
0x5b: {  	v13 =	vld [tilespmem:s16+$0xDE00];
	v8 =	vadd.f32 v9, v8  }
0x5c: {  	v7 =	vadd.f32 v14, v7;
	v14 =	vld [tilespmem:s16+$0xCD00]  }
0x5d: {  	v15 =	vld [tilespmem:s16+$0xDF00];
	v9 =	vadd.f32 v10, v8  }
0x5e: {  	v10 =	vadd.f32 v11, v7;
	v7 =	vld [tilespmem:s16+$0xCE00]  }
0x5f: {  	v8 =	vld [tilespmem:s16+$0xE000];
	v11 =	vadd.f32 v12, v9  }
0x60: {  	v9 =	vld [tilespmem:s16+$0xCF00];
	v13 =	vadd.f32 v13, v10  }
0x61: {  	v10 =	vld [tilespmem:s16+$0xE100];
	v12 =	vadd.f32 v14, v11  }
0x62: {  	s17 =	simm.s32 $0xFFFFFF10;
	s18 =	simm.s32 $0xFFFFFC80;
	v11 =	vld [tilespmem:s16+$0xD000];
	v13 =	vadd.f32 v15, v13  }
.LBB2_6:
0x63: {  	p0 =	sne.s32 s18, $0xFFFFFFC0;
	v14 =	vld [tilespmem:s17+$0xD200];
	v7 =	vadd.f32 v7, v12  }
0x64: {  	v12 =	vld [tilespmem:s17+$0xC100];
	v8 =	vadd.f32 v8, v13  }
0x65: {  	v13 =	vld [tilespmem:s17+$0xD300];
	v7 =	vadd.f32 v9, v7  }
0x66: {  	v9 =	vld [tilespmem:s17+$0xC200];
	v8 =	vadd.f32 v10, v8  }
0x67: {  	v10 =	vld [tilespmem:s17+$0xD400];
	v7 =	vadd.f32 v11, v7  }
0x68: {  	v11 =	vadd.f32 $0.0e+00, v14;
	v14 =	vld [tilespmem:s17+$0xC300];
	[tilespmem:s16+$0xE200] =	vst v8  }
0x69: {  	v8 =	vadd.f32 $0.0e+00, v12;
	v12 =	vld [tilespmem:s17+$0xD500];
	[tilespmem:s16+$0xD100] =	vst v7;
	s16 =	smov.u32 s17  }
0x6a: {  	v7 =	vadd.f32 v13, v11;
	v11 =	vld [tilespmem:s16+$0xC400]  }
0x6b: {  	v8 =	vadd.f32 v9, v8;
	v9 =	vld [tilespmem:s16+$0xD600]  }
0x6c: {  	v7 =	vadd.f32 v10, v7;
	v10 =	vld [tilespmem:s16+$0xC500]  }
0x6d: {  	v8 =	vadd.f32 v14, v8;
	v13 =	vld [tilespmem:s16+$0xD700]  }
0x6e: {  	v7 =	vadd.f32 v12, v7;
	v12 =	vld [tilespmem:s16+$0xC600]  }
0x6f: {  	v8 =	vadd.f32 v11, v8;
	v11 =	vld [tilespmem:s16+$0xD800]  }
0x70: {  	v7 =	vadd.f32 v9, v7;
	v9 =	vld [tilespmem:s16+$0xC700]  }
0x71: {  	v8 =	vadd.f32 v10, v8;
	v10 =	vld [tilespmem:s16+$0xD900]  }
0x72: {  	v7 =	vadd.f32 v13, v7;
	v13 =	vld [tilespmem:s16+$0xC800]  }
0x73: {  	v8 =	vadd.f32 v12, v8;
	v12 =	vld [tilespmem:s16+$0xDA00]  }
0x74: {  	v7 =	vadd.f32 v11, v7;
	v11 =	vld [tilespmem:s16+$0xC900]  }
0x75: {  	v8 =	vadd.f32 v9, v8;
	v9 =	vld [tilespmem:s16+$0xDB00]  }
0x76: {  	v7 =	vadd.f32 v10, v7;
	v10 =	vld [tilespmem:s16+$0xCA00]  }
0x77: {  	v8 =	vadd.f32 v13, v8;
	v13 =	vld [tilespmem:s16+$0xDC00]  }
0x78: {  	v7 =	vadd.f32 v12, v7;
	v12 =	vld [tilespmem:s16+$0xCB00]  }
0x79: {  	v8 =	vadd.f32 v11, v8;
	v11 =	vld [tilespmem:s16+$0xDD00]  }
0x7a: {  	v7 =	vadd.f32 v9, v7;
	v9 =	vld [tilespmem:s16+$0xCC00]  }
0x7b: {  	v8 =	vadd.f32 v10, v8;
	v10 =	vld [tilespmem:s16+$0xDE00]  }
0x7c: {  	v7 =	vadd.f32 v13, v7;
	v13 =	vld [tilespmem:s16+$0xCD00]  }
0x7d: {  	v8 =	vadd.f32 v12, v8;
	v14 =	vld [tilespmem:s16+$0xDF00]  }
.Ltmp4:
0x7e: {  	v11 =	vadd.f32 v11, v7;
	v7 =	vld [tilespmem:s16+$0xCE00];
	(pc) =	sbr.rel @p0 .LBB2_6-.Ltmp4, $4  }
0x7f: {  	v12 =	vadd.f32 v9, v8;
	v8 =	vld [tilespmem:s16+$0xE000]  }
0x80: {  	v11 =	vadd.f32 v10, v11;
	v9 =	vld [tilespmem:s16+$0xCF00]  }
0x81: {  	v12 =	vadd.f32 v13, v12;
	v10 =	vld [tilespmem:s16+$0xE100]  }
0x82: {  	s17 =	sshra.s32 s18, $0x2;
	s18 =	sadd.s32 $0x40, s18;
	v13 =	vadd.f32 v14, v11;
	v11 =	vld [tilespmem:s16+$0xD000]  }
0x83: {  	v14 =	vld [tilespmem:s17+$0xD200];
	v7 =	vadd.f32 v7, v12  }
0x84: {  	v15 =	vld [tilespmem:s17+$0xC100];
	v8 =	vadd.f32 v8, v13  }
0x85: {  	v12 =	vld [tilespmem:s17+$0xD300];
	v7 =	vadd.f32 v9, v7  }
0x86: {  	v13 =	vld [tilespmem:s17+$0xC200];
	v8 =	vadd.f32 v10, v8  }
0x87: {  	v9 =	vld [tilespmem:s17+$0xD400];
	v7 =	vadd.f32 v11, v7  }
0x88: {  	v10 =	vld [tilespmem:s17+$0xC300];
	[tilespmem:s16+$0xE200] =	vst v8;
	v8 =	vadd.f32 $0.0e+00, v14  }
0x89: {  	v14 =	vadd.f32 $0.0e+00, v15;
	v11 =	vld [tilespmem:s17+$0xD500];
	[tilespmem:s16+$0xD100] =	vst v7  }
0x8a: {  	v7 =	vadd.f32 v12, v8;
	v8 =	vld [tilespmem:s17+$0xC400]  }
0x8b: {  	v12 =	vadd.f32 v13, v14;
	v13 =	vld [tilespmem:s17+$0xD600]  }
0x8c: {  	v7 =	vadd.f32 v9, v7;
	v9 =	vld [tilespmem:s17+$0xC500]  }
0x8d: {  	v10 =	vadd.f32 v10, v12;
	v12 =	vld [tilespmem:s17+$0xD700]  }
0x8e: {  	v7 =	vadd.f32 v11, v7;
	v11 =	vld [tilespmem:s17+$0xC600]  }
0x8f: {  	v8 =	vadd.f32 v8, v10;
	v10 =	vld [tilespmem:s17+$0xD800]  }
0x90: {  	v7 =	vadd.f32 v13, v7;
	v13 =	vld [tilespmem:s17+$0xC700]  }
0x91: {  	v8 =	vadd.f32 v9, v8;
	v9 =	vld [tilespmem:s17+$0xD900]  }
0x92: {  	v7 =	vadd.f32 v12, v7;
	v12 =	vld [tilespmem:s17+$0xC800]  }
0x93: {  	v8 =	vadd.f32 v11, v8;
	v11 =	vld [tilespmem:s17+$0xDA00]  }
0x94: {  	v7 =	vadd.f32 v10, v7;
	v10 =	vld [tilespmem:s17+$0xC900]  }
0x95: {  	v8 =	vadd.f32 v13, v8;
	v13 =	vld [tilespmem:s17+$0xDB00]  }
0x96: {  	v7 =	vadd.f32 v9, v7;
	v9 =	vld [tilespmem:s17+$0xCA00]  }
0x97: {  	v8 =	vadd.f32 v12, v8;
	v12 =	vld [tilespmem:s17+$0xDC00]  }
0x98: {  	v7 =	vadd.f32 v11, v7;
	v11 =	vld [tilespmem:s17+$0xCB00]  }
0x99: {  	v8 =	vadd.f32 v10, v8;
	v10 =	vld [tilespmem:s17+$0xDD00]  }
0x9a: {  	v7 =	vadd.f32 v13, v7;
	v13 =	vld [tilespmem:s17+$0xCC00]  }
0x9b: {  	v8 =	vadd.f32 v9, v8;
	v9 =	vld [tilespmem:s17+$0xDE00]  }
0x9c: {  	v7 =	vadd.f32 v12, v7;
	v12 =	vld [tilespmem:s17+$0xCD00]  }
0x9d: {  	v8 =	vadd.f32 v11, v8;
	v11 =	vld [tilespmem:s17+$0xDF00]  }
0x9e: {  	v7 =	vadd.f32 v10, v7;
	v10 =	vld [tilespmem:s17+$0xCE00]  }
0x9f: {  	v8 =	vadd.f32 v13, v8;
	v13 =	vld [tilespmem:s17+$0xE000]  }
0xa0: {  	v7 =	vadd.f32 v9, v7;
	v9 =	vld [tilespmem:s17+$0xCF00]  }
0xa1: {  	v8 =	vadd.f32 v12, v8;
	v12 =	vld [tilespmem:s17+$0xE100]  }
0xa2: {  	v7 =	vadd.f32 v11, v7;
	v11 =	vld [tilespmem:s17+$0xD000]  }
0xa3: {  	v8 =	vadd.f32 v10, v8  }
0xa4: {  	v7 =	vadd.f32 v13, v7  }
0xa5: {  	v8 =	vadd.f32 v9, v8  }
0xa6: {  	v7 =	vadd.f32 v12, v7  }
0xa7: {  	v8 =	vadd.f32 v11, v8  }
0xa8: {  	[tilespmem:s17+$0xE200] =	vst v7  }
0xa9: {  	[tilespmem:s17+$0xD100] =	vst v8  }
0xaa: {  	v34 =	vld [tilespmem:$0xD000];
	_ =	sdelay $0x1  }
0xab: {  	v31 =	vld [tilespmem:$0xD010];
	_ =	sdelay $0x1  }
0xac: {  	v28 =	vld [tilespmem:$0xD020]  }
0xad: {  	(xrf2) =	vadd.scan.msk.f32 $0xffff, v34  }
0xae: {  	v26 =	vld [tilespmem:$0xD030]  }
0xaf: {  	(xrf2) =	vadd.scan.msk.f32 $0xffff, v31  }
0xb0: {  	v24 =	vld [tilespmem:$0xD040]  }
0xb1: {  	(xrf2) =	vadd.scan.msk.f32 $0xffff, v28  }
0xb2: {  	v22 =	vld [tilespmem:$0xD050]  }
0xb3: {  	(xrf2) =	vadd.scan.msk.f32 $0xffff, v26  }
0xb4: {  	v19 =	vld [tilespmem:$0xD060]  }
0xb5: {  	(xrf2) =	vadd.scan.msk.f32 $0xffff, v24  }
0xb6: {  	v16 =	vld [tilespmem:$0xD070]  }
0xb7: {  	v7, _, _ =	vpop (xrf2);
	(xrf2) =	vadd.scan.msk.f32 $0xffff, v22  }
0xb8: {  	v14 =	vld [tilespmem:$0xD080];
	v15 =	vadd.f32 $0.0e+00, v7  }
0xb9: {  	v17, _, _ =	vpop (xrf2);
	(xrf2) =	vadd.scan.msk.f32 $0xffff, v19  }
0xba: {  	v13 =	vld [tilespmem:$0xD090];
	v18 =	vadd.f32 v17, v15  }
0xbb: {  	v20, _, _ =	vpop (xrf2);
	(xrf2) =	vadd.scan.msk.f32 $0xffff, v16  }
0xbc: {  	v11 =	vld [tilespmem:$0xD0A0];
	v21 =	vadd.f32 v20, v18  }
0xbd: {  	v23, _, _ =	vpop (xrf2);
	(xrf2) =	vadd.scan.msk.f32 $0xffff, v14  }
0xbe: {  	v12 =	vld [tilespmem:$0xD0B0];
	v25 =	vadd.f32 v23, v21  }
0xbf: {  	v27, _, _ =	vpop (xrf2);
	(xrf2) =	vadd.scan.msk.f32 $0xffff, v13  }
0xc0: {  	v10 =	vld [tilespmem:$0xD0C0];
	v29 =	vadd.f32 v27, v25  }
0xc1: {  	v30, _, _ =	vpop (xrf2);
	(xrf2) =	vadd.scan.msk.f32 $0xffff, v11  }
0xc2: {  	v9 =	vld [tilespmem:$0xD0D0];
	v32 =	vadd.f32 v30, v29  }
0xc3: {  	v33, _, _ =	vpop (xrf2);
	(xrf2) =	vadd.scan.msk.f32 $0xffff, v12  }
0xc4: {  	v7 =	vld [tilespmem:$0xD0E0];
	v35 =	vadd.f32 v33, v32  }
0xc5: {  	v36, _, _ =	vpop (xrf2);
	(xrf2) =	vadd.scan.msk.f32 $0xffff, v10  }
0xc6: {  	v8 =	vld [tilespmem:$0xD0F0];
	v37 =	vadd.f32 v36, v35  }
0xc7: {  	v38, _, _ =	vpop (xrf2);
	(xrf2) =	vadd.scan.msk.f32 $0xffff, v9  }
0xc8: {  	v39 =	vadd.f32 v38, v37  }
0xc9: {  	v40, _, _ =	vpop (xrf2);
	(xrf2) =	vadd.scan.msk.f32 $0xffff, v7  }
0xca: {  	v41 =	vadd.f32 v40, v39  }
0xcb: {  	v42, _, _ =	vpop (xrf2);
	(xrf2) =	vadd.scan.msk.f32 $0xffff, v8  }
0xcc: {  	v43 =	vadd.f32 v42, v41  }
0xcd: {  	v44, _, _ =	vpop (xrf2)  }
0xce: {  	v45 =	vadd.f32 v44, v43  }
0xcf: {  	v46, _, _ =	vpop (xrf2)  }
0xd0: {  	v47 =	vadd.f32 v46, v45  }
0xd1: {  	v48, _, _ =	vpop (xrf2)  }
0xd2: {  	v49 =	vadd.f32 v48, v47  }
0xd3: {  	v50, _, _ =	vpop (xrf2)  }
0xd4: {  	v51 =	vadd.f32 v50, v49  }
0xd5: {  	v54 =	vbroadcast v15, $0xF;
	v52, _, _ =	vpop (xrf2)  }
0xd6: {  	v18 =	vbroadcast v18, $0xF;
	v53 =	vadd.f32 v52, v51  }
0xd7: {  	v17 =	vadd.f32 v54, v17;
	v21 =	vbroadcast v21, $0xF;
	v32 =	vbroadcast v32, $0xF  }
0xd8: {  	v18 =	vadd.f32 v18, v20;
	v20 =	vbroadcast v37, $0xF;
	v53 =	vbroadcast v53, $0xF  }
0xd9: {  	v54 =	vcvt.s32.f32 v6;
	v21 =	vadd.f32 v21, v23;
	v32 =	vadd.f32 v32, v33  }
0xda: {  	v25 =	vbroadcast v25, $0xF;
	v20 =	vadd.f32 v20, v38;
	v15 =	vsub.f32 v53, v15  }
0xdb: {  	v29 =	vbroadcast v29, $0xF;
	v17 =	vsub.f32 v53, v17;
	v21 =	vsub.f32 v53, v21  }
0xdc: {  	v35 =	vbroadcast v35, $0xF;
	v32 =	vsub.f32 v53, v32;
	v15 =	vadd.f32 v15, v34  }
0xdd: {  	v60 =	vbroadcast v39, $0xF;
	v20 =	vsub.f32 v53, v20;
	v21 =	vadd.f32 v21, v26  }
0xde: {  	vm0 =	vge.f32 v15, v54;
	v15 =	vadd.f32 v17, v31;
	v17 =	vsub.f32 v53, v18  }
0xdf: {  	v32 =	vadd.f32 v32, v19;
	v20 =	vadd.f32 v20, v14;
	v18 =	vbroadcast v41, $0xF  }
0xe0: {  	vm13 =	vge.f32 v15, v54;
	v15 =	vadd.f32 v17, v28;
	v17 =	vadd.f32 v25, v27  }
0xe1: {  	vm15 =	vge.f32 v21, v54;
	v21 =	vbroadcast v47, $0xF;
	vm6 =	vge.f32 v32, v54  }
0xe2: {  	vm14 =	vge.f32 v15, v54;
	v15 =	vsub.f32 v53, v17;
	v17 =	vadd.f32 v29, v30  }
0xe3: {  	vm8 =	vge.f32 v20, v54;
	v23 =	vmpcnt.ones.xlane vm0;
	v61 =	vmpcnt.ones.xlane vm15  }
0xe4: {  	v32 =	vmpcnt.ones.xlane vm6;
	v15 =	vadd.f32 v15, v24;
	v17 =	vsub.f32 v53, v17  }
0xe5: {  	v25 =	vbroadcast v43, $0xF;
	v18 =	vadd.f32 v18, v42;
	v29 =	vbroadcast v45, $0xF  }
0xe6: {  	vm4 =	vge.f32 v15, v54;
	v15 =	vadd.f32 v17, v22;
	v17 =	vadd.f32 v35, v36  }
0xe7: {  	v27 =	vmpcnt.ones.xlane vm13;
	v18 =	vsub.f32 v53, v18;
	v20 =	vadd.f32 v29, v46  }
0xe8: {  	vm5 =	vge.f32 v15, v54;
	v15 =	vsub.f32 v53, v17;
	v17 =	vadd.f32 v60, v40  }
0xe9: {  	v45 =	vbroadcast v49, $0xF;
	v18 =	vadd.f32 v18, v11;
	v29 =	vsub.f32 v53, v20  }
0xea: {  	v30 =	vmpcnt.ones.xlane vm14;
	v15 =	vadd.f32 v15, v16;
	v17 =	vsub.f32 v53, v17  }
0xeb: {  	vm10 =	vge.f32 v18, v54;
	v62 =	vmpcnt.ones.xlane vm4;
	v29 =	vadd.f32 v29, v10  }
0xec: {  	vm7 =	vge.f32 v15, v54;
	v15 =	vadd.f32 v17, v13;
	v17 =	vadd.f32 v25, v44  }
0xed: {  	v49 =	vmpcnt.ones.xlane vm10;
	v63 =	vmpcnt.ones.xlane vm5;
	vm12 =	vge.f32 v29, v54  }
0xee: {  	v38 =	vld [tilespmem:$0xE1F0];
	vm9 =	vge.f32 v15, v54;
	v15 =	vsub.f32 v53, v17;
	v17 =	vadd.s32 v27, v23  }
0xef: {  	v44 =	vmpcnt.ones.xlane vm8;
	v23 =	vbroadcast v51, $0xF;
	v27 =	vadd.s32 v30, v17;
	v17 =	vld [tilespmem:$0xE110]  }
0xf0: {  	v30 =	vadd.f32 v45, v50;
	v18 =	vadd.f32 v15, v12;
	v15 =	vld [tilespmem:$0xE100];
	v20 =	vadd.s32 v61, v27  }
0xf1: {  	v27 =	vadd.f32 v21, v48;
	v52 =	vadd.f32 v23, v52;
	v23 =	vld [tilespmem:$0xE150];
	v21 =	vadd.s32 v62, v20  }
0xf2: {  	v25 =	vmpcnt.ones.xlane vm7;
	v20 =	vld [tilespmem:$0xE130];
	v29 =	vsub.f32 v53, v30;
	v35 =	vadd.s32 v63, v21  }
0xf3: {  	vm11 =	vge.f32 v18, v54;
	v18 =	vld [tilespmem:$0xE120];
	v27 =	vsub.f32 v53, v27;
	v32 =	vadd.s32 v32, v35  }
0xf4: {  	v47 =	vmpcnt.ones.xlane vm9;
	v21 =	vld [tilespmem:$0xE140];
	v56 =	vsub.f32 v53, v52;
	v30 =	vadd.s32 v25, v32  }
0xf5: {  	v58 =	vadd.f32 v29, v7;
	v29 =	vld [tilespmem:$0xE180];
	v55 =	vadd.f32 v27, v9;
	v30 =	vadd.s32 v44, v30  }
0xf6: {  	v57 =	vmpcnt.ones.xlane vm12;
	v51 =	vmpcnt.ones.xlane vm11;
	v25 =	vld [tilespmem:$0xE160];
	v30 =	vadd.s32 v47, v30  }
0xf7: {  	v27 =	vld [tilespmem:$0xE170];
	v35 =	vadd.f32 v56, v8;
	vm13 =	vge.f32 v55, v54;
	v59 =	vadd.s32 v49, v30  }
0xf8: {  	v32 =	vld [tilespmem:$0xE1A0];
	vm14 =	vge.f32 v58, v54;
	v60 =	vmpcnt.ones.xlane vm13;
	v33 =	vadd.s32 v51, v59  }
0xf9: {  	v37 =	vmpcnt.ones.xlane vm14;
	vm15 =	vge.f32 v35, v54;
	v35 =	vld [tilespmem:$0xE1C0];
	v61 =	vadd.s32 v57, v33  }
0xfa: {  	v30 =	vld [tilespmem:$0xE190];
	v62 =	vmpcnt.ones.xlane vm15;
	v36 =	vadd.s32 v60, v61  }
0xfb: {  	v33 =	vld [tilespmem:$0xE1B0];
	v37 =	vadd.s32 v37, v36  }
0xfc: {  	v36 =	vld [tilespmem:$0xE1D0];
	v63 =	vadd.s32 v62, v37  }
0xfd: {  	s16 =	simm.s32 $0x40;
	s17 =	simm.s32 $0x0;
	v41 =	vimm.s32 $0x0;
	v40 =	vimm.s32 $0x0;
	v37 =	vld [tilespmem:$0xE1E0];
	v39 =	vadd.s32 $0xFFFFFFFF, v63  }
.LBB2_8:
0xfe: {  	p0 =	sne.s32 s16, $0x17FC0;
	v42 =	vld [tilespmem:s17+$0x0];
	_ =	sdelay $0x4  }
0xff: {  	v43 =	vshra.s32 v42, $0x17  }
0x100: {  	vm11 =	vgt.s32 v39, $0x0;
	vm0 =	veq.s32 v43, v39  }
0x101: {  	vm0 =	vmand vm11, vm0  }
0x102: {  	v43 =	vsel vm0, $0x1, v4;
	v44 =	vmpcnt.ones.xlane vm0  }
0x103: {  	(xrf0) =	vadd.scan.msk.s32 $0xffff, v43  }
0x104: {  	v41 =	vadd.s32 v41, v44;
	_ =	sdelay $0x3  }
0x105: {  	v43 =	vsel vm0, $0xFFFFFFFF, v4  }
0x106: {  	v43 =	vadd.s32 v43, v40;
	v40 =	vmov v41;
	v44, _, _ =	vpop (xrf0)  }
0x107: {  	v43 =	vadd.s32 v44, v43  }
.Ltmp5:
0x108: {  	(pc) =	sbr.rel @p0 .LBB2_8-.Ltmp5, $2  }
0x109: {  	_ =	sdelay $0x2  }
0x10a: {  	s17 =	sshra.s32 s16, $0x2;
	s16 =	sadd.s32 $0x40, s16;
	[tilespmem:v43+s13+$0x0] =	vst.idx.msk vm0, v42  }
0x10b: {  	v34 =	vadd.f32 $0.0e+00, v34;
	v42 =	vor.u32 $0x10, v0  }
0x10c: {  	vm0 =	vlt.s32 v39, v0;
	vm1 =	vlt.s32 v39, v42  }
0x10d: {  	v61 =	vor.u32 $0x20, v0;
	v34 =	vnsel vm0, $0x0, v34;
	v31 =	vnsel vm1, $0x0, v31  }
0x10e: {  	vm2 =	vlt.s32 v39, v61;
	v31 =	vadd.f32 v31, v34  }
0x10f: {  	v62 =	vor.u32 $0x30, v0;
	v28 =	vnsel vm2, $0x0, v28  }
0x110: {  	vm3 =	vlt.s32 v39, v62;
	v28 =	vadd.f32 v31, v28  }
0x111: {  	v63 =	vor.u32 $0x40, v0;
	v26 =	vnsel vm3, $0x0, v26;
	v31 =	vld [tilespmem:s17+$0x0]  }
0x112: {  	v59 =	vimm.s32 $0x0;
	vm4 =	vlt.s32 v39, v63;
	v26 =	vadd.f32 v28, v26  }
0x113: {  	v60 =	vimm.s32 $0x0;
	v24 =	vnsel vm4, $0x0, v24;
	v28 =	vor.u32 $0x50, v0  }
0x114: {  	v42 =	vsel vm0, $0xFFFFFFFF, v59;
	vm5 =	vlt.s32 v39, v28;
	v24 =	vadd.f32 v26, v24  }
0x115: {  	[tilespmem:$0x1FFE0] =	vst v42;
	v42 =	vsel vm1, $0xFFFFFFFF, v60;
	v22 =	vnsel vm5, $0x0, v22;
	v26 =	vor.u32 $0x60, v0  }
0x116: {  	v28 =	vshra.s32 v31, $0x17;
	vm6 =	vlt.s32 v39, v26;
	v22 =	vadd.f32 v24, v22  }
0x117: {  	vm0 =	veq.s32 v28, v39;
	v19 =	vnsel vm6, $0x0, v19;
	v24 =	vor.u32 $0x70, v0  }
0x118: {  	vm1 =	vmand vm11, vm0;
	vm7 =	vlt.s32 v39, v24;
	v19 =	vadd.f32 v22, v19  }
0x119: {  	v24 =	vor.u32 $0x80, v0;
	v22 =	vmpcnt.ones.xlane vm1;
	v16 =	vnsel vm7, $0x0, v16  }
0x11a: {  	vm8 =	vlt.s32 v39, v24;
	v19 =	vadd.f32 v19, v16  }
0x11b: {  	v14 =	vnsel vm8, $0x0, v14;
	v16 =	vadd.s32 v41, v22;
	v22 =	vor.u32 $0x90, v0  }
0x11c: {  	vm9 =	vlt.s32 v39, v22;
	v14 =	vadd.f32 v19, v14  }
0x11d: {  	v13 =	vnsel vm9, $0x0, v13;
	v19 =	vor.u32 $0xA0, v0  }
0x11e: {  	v24 =	vsel vm1, $0x1, v4;
	vm10 =	vlt.s32 v39, v19;
	v13 =	vadd.f32 v14, v13  }
0x11f: {  	(xrf0) =	vadd.scan.msk.s32 $0xffff, v24;
	v22 =	vxor.u32 $0x80000000, v16;
	v11 =	vnsel vm10, $0x0, v11;
	v14 =	vor.u32 $0xB0, v0  }
0x120: {  	(xrf0) =	vmax.scan.msk.u32 $0xffff, v22;
	vm12 =	vlt.s32 v39, v14;
	v11 =	vadd.f32 v13, v11  }
0x121: {  	v12 =	vnsel vm12, $0x0, v12  }
0x122: {  	v11 =	vadd.f32 v11, v12  }
0x123: {  	v13 =	vor.u32 $0xC0, v0  }
0x124: {  	vm13 =	vlt.s32 v39, v13  }
0x125: {  	v13 =	vor.u32 $0xD0, v0;
	v10 =	vnsel vm13, $0x0, v10;
	v12, _, _ =	vpop (xrf0)  }
0x126: {  	vm14 =	vlt.s32 v39, v13;
	v10 =	vadd.f32 v11, v10;
	v11, _, _ =	vpop (xrf0)  }
0x127: {  	v9 =	vnsel vm14, $0x0, v9;
	(v2sf) =	vpush v11, $0xF;
	v11 =	vor.u32 $0xE0, v0  }
0x128: {  	v9 =	vadd.f32 v10, v9;
	vm15 =	vlt.s32 v39, v11  }
0x129: {  	v10 =	vor.u32 $0xF0, v0;
	v7 =	vnsel vm15, $0x0, v7  }
0x12a: {  	vm0 =	vlt.s32 v39, v10;
	v7 =	vadd.f32 v9, v7  }
0x12b: {  	v8 =	vnsel vm0, $0x0, v8  }
0x12c: {  	v7 =	vadd.f32 v7, v8;
	_ =	sdelay $0x1  }
0x12d: {  	(xrf2) =	vadd.scan.msk.f32 $0xffff, v7;
	_ =	sdelay $0x7  }
0x12e: {  	s16 =	spop (v2sf)  }
0x12f: {  	v7 =	vsel vm1, $0xFFFFFFFF, v4;
	s16 =	sadd.s32 $0x8000000F, s16  }
0x130: {  	v7 =	vadd.s32 v7, v40;
	v8, _, _ =	vpop (xrf2);
	s30 =	sand.u32 $0xF, s16  }
0x131: {  	v7 =	vadd.s32 v12, v7;
	s18 =	sshra.s32 s16, $0x1F;
	p0 =	slt.s32 s16, $0x1;
	p1 =	sne.s32 s30, $0x0;
	v8 =	vtrunc.f32 v8  }
.Ltmp6:
0x132: {  	s31 =	sshrl.u32 s18, $0x1C;
	p0 =	por !p0, !p1;
	v8 =	vcvt.f32.s32 v8;
	(pc) =	sbr.rel .LBB2_10-.Ltmp6, $4  }
0x133: {  	s17 =	simm.s32 $0x1;
	s16 =	sadd.s32 s31, s16;
	p0 =	por !p0, !p0  }
0x134: {  	s16 =	sshra.s32 s16, $0x4;
	s17 =	simm.s32 @!p0 $0x0;
	v8 =	vbroadcast v8, $0xF  }
0x135: {  	[tilespmem:$0x1FFF0] =	vst v42;
	v10 =	vnsel vm11, $0x0, v39;
	s16 =	ssub.s32 s16, s17  }
0x136: {  	v10 =	vshll.u32 v10, $0x17;
	v9 =	vimm.s32 $0x0;
	[tilespmem:v7+s13+$0x0] =	vst.idx.msk vm1, v31;
	s18 =	simm.s32 $0x0;
	s17 =	simm.s32 $0x0;
	v6 =	vsub.s32 v6, v8;
	p0 =	slt.s32 s16, $0x1  }
.LBB2_13:
0x137: {  	vm1 =	vmand vm1, vm11  }
0x138: {  	v8 =	vmpcnt.ones.xlane vm1;
	_ =	sdelay $0x1  }
0x139: {  	v8 =	vadd.s32 v11, v8  }
.LBB2_14:
0x13a: {  	s18 =	sadd.s32 $0x1, s18  }
0x13b: {  	p1 =	sne.s32 s18, $0x17  }
.Ltmp7:
0x13c: {  	_ = 	snop;
	(pc) =	sbr.rel @!p1 .LBB2_15-.Ltmp7, $4  }
0x13d: {  	_ = 	snop  }
0x13e: {  	vm1 =	vlt.s32 v8, v6  }
0x13f: {  	v7 =	vsel vm1, $0x0, v7  }
0x140: {  	v9 =	vor.u32 v9, v7  }
.LBB2_10:
.Ltmp8:
0x141: {  	(pc) =	sbr.rel @p0 .LBB2_14-.Ltmp8, $4  }
0x142: {  	_ = 	snop  }
0x143: {  	s19 =	ssub.s32 $0x16, s18  }
0x144: {  	v7 =	vshll.u32 v5, s19  }
0x145: {  	v8 =	vimm.s32 $0x0;
	v7 =	vbroadcast v7, $0x0  }
0x146: {  	s19 =	simm.s32 $0x6000  }
0x147: {  	p1 =	sne.s32 s16, $0x1;
	v11 =	vld [tilespmem:s19+$0x0]  }
.Ltmp9:
0x148: {  	_ = 	snop;
	(pc) =	sbr.rel @!p1 .LBB2_13-.Ltmp9, $4  }
0x149: {  	_ = 	snop  }
0x14a: {  	v8 =	vor.u32 v10, v9  }
0x14b: {  	v12 =	vor.u32 s17, v0;
	v8 =	vor.u32 v7, v8  }
0x14c: {  	s20 =	simm.s32 $0x6010;
	s21 =	simm.s32 $0x0;
	s19 =	sadd.s32 $0xFFFFFFFF, s16;
	vm1 =	vlt.s32 v12, v16;
	vm11 =	vge.s32 v11, v8;
	v11 =	vimm.s32 $0x0  }
.LBB2_12:
0x14d: {  	v12 =	vld [tilespmem:s20+$0x0];
	p1 =	sne.s32 s19, $0x1;
	s19 =	sadd.s32 $0xFFFFFFFF, s19;
	vm1 =	vmand vm1, vm11  }
.Ltmp10:
0x14e: {  	v13 =	vmpcnt.ones.xlane vm1;
	(pc) =	sbr.rel @p1 .LBB2_12-.Ltmp10, $4  }
0x14f: {  	_ = 	snop  }
0x150: {  	s21 =	sadd.s32 $0x10, s21;
	v11 =	vadd.s32 v11, v13  }
0x151: {  	v13 =	vor.u32 s21, v0  }
0x152: {  	s20 =	sadd.s32 $0x10, s20;
	vm1 =	vlt.s32 v13, v16;
	vm11 =	vge.s32 v12, v8  }
.Ltmp11:
0x153: {  	_ = 	snop;
	(pc) =	sbr.rel .LBB2_13-.Ltmp11, $1  }
0x154: {  	_ =	sdelay $0x3  }
.LBB2_15:
0x155: {  	v8 =	vld [tilespmem:$0x1FFE0];
	_ =	sdelay $0x4  }
0x156: {  	vm1 =	vnez.u8 v8;
	v8 =	vld [tilespmem:$0x1FFF0];
	_ =	sdelay $0x3  }
0x157: {  	v7 =	vadd.f32 $0.0e+00, v15  }
0x158: {  	vm11 =	vnez.u8 v8  }
0x159: {  	v7 =	vnsel vm1, $0x0, v7;
	v8 =	vnsel vm11, $0x0, v17  }
0x15a: {  	v7 =	vadd.f32 v8, v7  }
0x15b: {  	v8 =	vnsel vm2, $0x0, v18  }
0x15c: {  	v7 =	vadd.f32 v7, v8  }
0x15d: {  	v8 =	vnsel vm3, $0x0, v20  }
0x15e: {  	v7 =	vadd.f32 v7, v8  }
0x15f: {  	v8 =	vnsel vm4, $0x0, v21  }
0x160: {  	v7 =	vadd.f32 v7, v8  }
0x161: {  	v8 =	vnsel vm5, $0x0, v23  }
0x162: {  	v7 =	vadd.f32 v7, v8  }
0x163: {  	v8 =	vnsel vm6, $0x0, v25  }
0x164: {  	v7 =	vadd.f32 v7, v8  }
0x165: {  	v8 =	vnsel vm7, $0x0, v27  }
0x166: {  	v7 =	vadd.f32 v7, v8  }
0x167: {  	v8 =	vnsel vm8, $0x0, v29  }
0x168: {  	v7 =	vadd.f32 v7, v8  }
0x169: {  	v8 =	vnsel vm9, $0x0, v30  }
0x16a: {  	v7 =	vadd.f32 v7, v8  }
0x16b: {  	v8 =	vnsel vm10, $0x0, v32  }
0x16c: {  	v7 =	vadd.f32 v7, v8  }
0x16d: {  	v8 =	vnsel vm12, $0x0, v33  }
0x16e: {  	v7 =	vadd.f32 v7, v8  }
0x16f: {  	v8 =	vnsel vm13, $0x0, v35  }
0x170: {  	v7 =	vadd.f32 v7, v8  }
0x171: {  	v8 =	vnsel vm14, $0x0, v36  }
0x172: {  	v7 =	vadd.f32 v7, v8  }
0x173: {  	v8 =	vnsel vm15, $0x0, v37  }
0x174: {  	v7 =	vadd.f32 v7, v8  }
0x175: {  	v8 =	vnsel vm0, $0x0, v38  }
0x176: {  	v7 =	vadd.f32 v7, v8;
	_ =	sdelay $0x1  }
0x177: {  	(xrf2) =	vadd.scan.msk.f32 $0xffff, v7;
	_ =	sdelay $0x5  }
.Ltmp12:
0x178: {  	_ = 	snop;
	(pc) =	sbr.rel @p0 .LBB2_24-.Ltmp12, $2  }
0x179: {  	_ =	sdelay $0x2  }
0x17a: {  	v9 =	vor.u32 v10, v9;
	v10 =	vimm.s32 $0x0;
	v8 =	vimm.f32 $0.0e+00;
	v7, _, _ =	vpop (xrf2)  }
0x17b: {  	s17 =	simm.s32 $0x6000  }
0x17c: {  	p2 =	sne.s32 s16, $0x1;
	v11 =	vld [tilespmem:s17+$0x0]  }
.Ltmp13:
0x17d: {  	_ = 	snop;
	(pc) =	sbr.rel @!p2 .LBB2_17-.Ltmp13, $4  }
0x17e: {  	_ = 	snop  }
0x17f: {  	s31 =	simm.s32 $0x0  }
0x180: {  	s16 =	sadd.s32 $0xFFFFFFFF, s16;
	v12 =	vor.u32 s31, v0  }
0x181: {  	p0 =	por $0x0, $0x0;
	p1 =	por $0x0, $0x0;
	s17 =	simm.s32 $0x6010;
	vm0 =	vlt.s32 v12, v16;
	vm1 =	vlt.s32 v9, v11  }
0x182: {  	vm0 =	vmand vm0, vm1  }
0x183: {  	v11 =	vnsel vm0, $0x0, v11  }
0x184: {  	(xrf2) =	vadd.scan.msk.f32 $0xffff, v11;
	_ =	sdelay $0x3  }
0x185: {  	v12 =	vld [tilespmem:s17+$0x0];
	p2 =	sne.s32 s16, $0x1  }
.Ltmp14:
0x186: {  	_ = 	snop;
	(pc) =	sbr.rel @!p2 .LBB2_19-.Ltmp14, $4  }
0x187: {  	_ = 	snop  }
0x188: {  	s31 =	simm.s32 $0x10;
	v13 =	vmpcnt.ones.xlane vm0  }
0x189: {  	v14 =	vor.u32 s31, v0  }
0x18a: {  	s17 =	sadd.s32 $0xFFFFFFFF, s16;
	s16 =	simm.s32 $0x6020;
	p0 =	por $0x1, $0x1;
	vm0 =	vlt.s32 v14, v16;
	v10 =	vadd.s32 v10, v13;
	vm1 =	vlt.s32 v9, v12  }
0x18b: {  	v11 =	vld [tilespmem:s16+$0x0];
	p2 =	sne.s32 s17, $0x1  }
.Ltmp15:
0x18c: {  	vm0 =	vmand vm0, vm1;
	(pc) =	sbr.rel @!p2 .LBB2_21-.Ltmp15, $4  }
0x18d: {  	v13 =	vmpcnt.ones.xlane vm0  }
0x18e: {  	s16 =	simm.s32 $0x20  }
0x18f: {  	v12 =	vnsel vm0, $0x0, v12;
	v10 =	vadd.s32 v10, v13;
	v13 =	vor.u32 s16, v0  }
0x190: {  	s17 =	sadd.s32 $0xFFFFFFFF, s17;
	s18 =	simm.s32 $0x6030;
	p1 =	por $0x1, $0x1;
	(xrf2) =	vadd.scan.msk.f32 $0xffff, v12;
	v12 =	vimm.f32 $0.0e+00;
	vm0 =	vlt.s32 v13, v16;
	vm1 =	vlt.s32 v9, v11  }
.LBB2_22:
0x191: {  	v13 =	vld [tilespmem:s18+$0x0];
	p2 =	sne.s32 s17, $0x1;
	s17 =	sadd.s32 $0xFFFFFFFF, s17;
	vm0 =	vmand vm0, vm1;
	v14, _, _ =	vpop (xrf2)  }
.Ltmp16:
0x192: {  	v15 =	vmpcnt.ones.xlane vm0;
	v11 =	vnsel vm0, $0x0, v11;
	v14 =	vbroadcast v14, $0xF;
	(pc) =	sbr.rel @p2 .LBB2_22-.Ltmp16, $4  }
0x193: {  	(xrf2) =	vadd.scan.msk.f32 $0xffff, v11  }
0x194: {  	s16 =	sadd.s32 $0x10, s16;
	v10 =	vadd.s32 v10, v15;
	v12 =	vadd.f32 v14, v12  }
0x195: {  	v14 =	vor.u32 s16, v0  }
0x196: {  	s18 =	sadd.s32 $0x10, s18;
	vm0 =	vlt.s32 v14, v16;
	vm1 =	vlt.s32 v9, v13;
	v11 =	vmov v13  }
.Ltmp17:
0x197: {  	_ = 	snop;
	(pc) =	sbr.rel .LBB2_23-.Ltmp17, $1  }
0x198: {  	_ =	sdelay $0x3  }
.LBB2_19:
.Ltmp18:
0x199: {  	(pc) =	sbr.rel .LBB2_23-.Ltmp18, $2  }
0x19a: {  	_ =	sdelay $0x2  }
0x19b: {  	v11 =	vmov v12;
	v12 =	vimm.f32 $0.0e+00  }
.LBB2_21:
.Ltmp19:
0x19c: {  	(pc) =	sbr.rel .LBB2_23-.Ltmp19, $2  }
0x19d: {  	_ =	sdelay $0x2  }
0x19e: {  	v12 =	vimm.f32 $0.0e+00  }
.LBB2_25:
0x19f: {  	_ =	sfence.sel $0x180000  }
0x1a0: {  	[bflag:$0x0] =	sbarrier.arrive $0xFFFF  }
0x1a1: {  	p0 =	sne.s32 s1, $0x0;
	_ =	strace $0x90000047  }
0x1a2: {  	s0 =	sadd.s32 @!p0 $0x100000, s0;
	[bflag:$0x2] =	sbarrier.arrive $0xFFFF  }
0x1a3: {  	[sflag:s0] =	ssyncadd.tile.s32 @!p0 $0x1;
	_ =	shalt  }
.Lfunc_end2:
_tile_overlayer_lowered:
.L_overlay_start_2:
0x1a4: {  	(tag) =	ssettag $0x2  }
0x1a5: {  	s0 =	rddreg [dreg:$0x0];
	s2 =	stileid.u32  }
0x1a6: {  	s1 =	rddreg [dreg:$0x1];
	p0 =	sne.s32 s2, $0x0  }
0x1a7: {  	s3 =	rddreg [dreg:$0x2];
	[bflag:$0x3] =	sbarrier.arrive $0xFFFF;
	s2 =	simm.s32 @!p0 $0x1C01  }
0x1a8: {  	[timem:s3], [sflag:s2] =	dma.local @!p0 [hbm:s0], s1  }
0x1a9: {  	s0 =	simm.s32 @!p0 $0x1  }
0x1aa: {  	_ =	swait.ge @!p0 [sflag:s0], s1  }
0x1ab: {  	s1 =	ssub.s32 @!p0 $0x0, s1;
	[sflag:s0] =	ssyncset.done @!p0 $0x0  }
0x1ac: {  	[sflag:s0] =	ssyncadd.s32 @!p0 s1  }
0x1ad: {  	[bflag:$0x3] =	sbarrier.arrive $0xFFFF  }
0x1ae: {  	_ =	shalt  }

</sc_bundles>
